<compile_context>
chip_gen: v7x
topology: tpu7x:2x2x1
jax: 0.10.2.dev20260603
libtpu: 0.0.44.dev20260713+nightly
codegen_flags: <defaults>
</compile_context>

<pallas_src>
import jax
import jax.numpy as jnp
from jax import lax
from jax.experimental import pallas as pl
from jax.experimental.pallas import tpu as pltpu
from jax.experimental.pallas import tpu_sc as plsc

N = 10000
E = 320000
D = 128
H = 128
C = 5
N_MASK = 3000
RB = 1000
NB = N // RB
G = 128
EROWS = E // G
TILES = 16
ROWS_PER_TILE = 160
EROWS_PAD = ROWS_PER_TILE * TILES
ER2 = 2 * EROWS_PAD
ERTOT = ER2 + ROWS_PER_TILE
HROWS = EROWS_PAD // 2
HPT = HROWS // TILES
HRANGE = 5000
NH = 5120
ZCHUNK = NH // 8
DZCHUNK = NH // TILES
CHUNK = 1
CG = CHUNK * G
ER5 = ERTOT // CHUNK
NCH0 = ROWS_PER_TILE // CHUNK
NCH1 = HPT // CHUNK
OCHUNK = 1000
DOCHUNK = 1000
DSPREAD = 64


def _prep_body(x_t_ref, x_s_ref, tok_ref, w_e2d_ref, w_dec_ref, w_cls_ref,
               xm_ref, w_ed_ref, w_ec_ref):
    i = pl.program_id(0)
    half = i % 2
    j = i // 2

    @pl.when(j < N_MASK // RB)
    def _():
        xm_ref[...] = jnp.broadcast_to(tok_ref[...], (RB, D))

    @pl.when(j >= N_MASK // RB)
    def _():
        xm_ref[...] = jnp.where(half == 0, x_t_ref[...], x_s_ref[...])

    @pl.when(i == 0)
    def _():
        w = w_e2d_ref[...]
        w_ed_ref[...] = jnp.dot(w, w_dec_ref[...],
                                preferred_element_type=jnp.float32)
        w_ec_ref[...] = jnp.dot(w, w_cls_ref[...],
                                preferred_element_type=jnp.float32)


def _prep(x_t, x_s, tok, w_e2d, w_dec, w_cls_pad):
    blk_b = pl.BlockSpec((RB, D), lambda i: (i // 2, 0))
    xm_blk = pl.BlockSpec((RB, D), lambda i: ((i % 2) * NB + i // 2, 0))
    const = pl.BlockSpec((H, D), lambda i: (0, 0))
    return pl.pallas_call(
        _prep_body,
        grid=(2 * NB,),
        in_specs=[blk_b, blk_b, pl.BlockSpec((1, D), lambda i: (0, 0)),
                  const, const, const],
        out_specs=[xm_blk, const, const],
        out_shape=[
            jax.ShapeDtypeStruct((2 * N, D), jnp.float32),
            jax.ShapeDtypeStruct((H, D), jnp.float32),
            jax.ShapeDtypeStruct((H, D), jnp.float32),
        ],
    )(x_t, x_s, tok, w_e2d, w_dec, w_cls_pad)


def _sc_body(xm, esrc5, edst5, zfeat, ones_h,
             agg_out, deg_out,
             src_idx5, dst_rel5, rows0, rows1, ones_v, deg_v,
             agg_sh, deg_sh, semg0, semg1, sems0, sems1, semd):
    c = lax.axis_index("c")
    s = lax.axis_index("s")

    pltpu.sync_copy(ones_h, ones_v)

    def pass_body(p):
        @pl.when(s < 8)
        def _():
            pltpu.sync_copy(zfeat, agg_sh.at[pl.ds(s * ZCHUNK, ZCHUNK), :])

        def zbody(j, zc):
            deg_v[pl.ds(j * 16, 16)] = jnp.zeros((16,), jnp.float32)
            return zc

        lax.fori_loop(0, DZCHUNK // 16, zbody, 0)
        pltpu.sync_copy(deg_v.at[pl.ds(0, DZCHUNK)],
                        deg_sh.at[pl.ds(s * DZCHUNK, DZCHUNK)])

        base50 = c * (EROWS_PAD // CHUNK) + s * NCH0
        base51 = (EROWS_PAD // CHUNK) + c * (HROWS // CHUNK) + s * NCH1
        base5 = jnp.where(p == 0, base50, base51)
        base5 = pl.multiple_of(base5, 8)
        dbase5 = p * ER5 + base5
        dbase5 = pl.multiple_of(dbase5, 8)
        nch = jnp.where(p == 0, NCH0, NCH1)
        slot = 2 * p + c

        pltpu.sync_copy(esrc5.at[pl.ds(base5, NCH0), :], src_idx5)
        pltpu.sync_copy(edst5.at[pl.ds(dbase5, NCH0), :], dst_rel5)
        plsc.subcore_barrier()

        pltpu.async_copy(xm.at[src_idx5.at[0]], rows0, semg0)

        def pair(q, pc):
            for k in (0, 1):
                ch = 2 * q + k
                rows_k = rows0 if k == 0 else rows1
                rows_o = rows1 if k == 0 else rows0
                semg_k = semg0 if k == 0 else semg1
                semg_o = semg1 if k == 0 else semg0
                pltpu.make_async_copy(
                    xm.at[src_idx5.at[0]], rows_k, semg_k).wait()

                @pl.when(ch + 1 < nch)
                def _():
                    pltpu.async_copy(
                        xm.at[src_idx5.at[ch + 1]], rows_o, semg_o)

                pltpu.sync_copy(rows_k, agg_sh.at[dst_rel5.at[ch]], add=True)

                @pl.when(ch >= 1)
                def _():
                    pltpu.make_async_copy(
                        ones_v, deg_sh.at[dst_rel5.at[0]], semd).wait()

                pltpu.async_copy(
                    ones_v, deg_sh.at[dst_rel5.at[ch]], semd, add=True)
            return pc

        lax.fori_loop(0, nch // 2, pair, 0)
        pltpu.make_async_copy(ones_v, deg_sh.at[dst_rel5.at[0]], semd).wait()
        plsc.subcore_barrier()

        @pl.when(s < 5)
        def _():
            sl = pl.ds(s * OCHUNK, OCHUNK)
            pltpu.sync_copy(agg_sh.at[sl, :], agg_out.at[slot, sl, :])

        @pl.when((s >= 5) & (s < 10))
        def _():
            dsl = pl.ds((s - 5) * DOCHUNK, DOCHUNK)
            pltpu.sync_copy(deg_sh.at[dsl], deg_v.at[pl.ds(0, DOCHUNK)])
            doff = slot * HRANGE + (s - 5) * DOCHUNK
            pltpu.sync_copy(deg_v.at[pl.ds(0, DOCHUNK)],
                            deg_out.at[pl.ds(doff, DOCHUNK)])

        plsc.subcore_barrier()

    for p in (0, 1):
        pass_body(jnp.int32(p))


def _sc_agg(xm, esrc5, edst5, zfeat, ones_h):
    mesh = plsc.VectorSubcoreMesh(core_axis_name="c", subcore_axis_name="s",
                                  num_cores=2, num_subcores=TILES)
    f32 = jnp.float32
    kern = pl.kernel(
        _sc_body,
        out_type=[
            jax.ShapeDtypeStruct((4, HRANGE, D), f32),
            jax.ShapeDtypeStruct((4 * HRANGE,), f32),
        ],
        mesh=mesh,
        scratch_types=[
            pltpu.VMEM((NCH0, CG), jnp.int32),
            pltpu.VMEM((NCH0, CG), jnp.int32),
            pltpu.VMEM((CG, D), f32),
            pltpu.VMEM((CG, D), f32),
            pltpu.VMEM((CG,), f32),
            pltpu.VMEM((DOCHUNK,), f32),
            pltpu.VMEM_SHARED((NH, D), f32),
            pltpu.VMEM_SHARED((NH,), f32),
            pltpu.SemaphoreType.DMA,
            pltpu.SemaphoreType.DMA,
            pltpu.SemaphoreType.DMA,
            pltpu.SemaphoreType.DMA,
            pltpu.SemaphoreType.DMA,
        ],
    )
    return kern(xm, esrc5, edst5, zfeat, ones_h)


def _sce_rows(recon, x):
    rn = recon / (jnp.sqrt(jnp.sum(recon * recon, axis=1, keepdims=True)) + 1e-8)
    xn = x / (jnp.sqrt(jnp.sum(x * x, axis=1, keepdims=True)) + 1e-8)
    cos = jnp.sum(rn * xn, axis=1, keepdims=True)
    one_m = 1.0 - cos
    return jnp.sum(one_m * one_m)


def _finale_body(agg_t_ref, deg_t_ref, agg_s0_ref, deg_s0_ref,
                 agg_s1a_ref, deg_s1a_ref, agg_s1b_ref, deg_s1b_ref,
                 x_t_ref, x_s_ref, y_ref,
                 w_ed_ref, b_dec_ref, w_ec_ref, b_cls_ref, out_ref):
    i = pl.program_id(0)

    @pl.when(i == 0)
    def _():
        out_ref[...] = jnp.zeros((1, 1), jnp.float32)

    in_lo = i < HRANGE // RB
    agg_s = jnp.where(in_lo, agg_s0_ref[...],
                      agg_s1a_ref[...] + agg_s1b_ref[...])
    deg_s = jnp.where(in_lo, deg_s0_ref[...],
                      deg_s1a_ref[...] + deg_s1b_ref[...])
    h_s = agg_s / jnp.maximum(deg_s, 1.0)
    logits = jnp.dot(h_s, w_ec_ref[...],
                     preferred_element_type=jnp.float32) + b_cls_ref[...]
    col = lax.broadcasted_iota(jnp.int32, (RB, D), 1)
    valid = col < C
    lm = jnp.where(valid, logits, jnp.float32(-1e30))
    mx = jnp.max(lm, axis=1, keepdims=True)
    ex = jnp.where(valid, jnp.exp(lm - mx), 0.0)
    lse = jnp.log(jnp.sum(ex, axis=1, keepdims=True)) + mx
    sel = col == y_ref[...]
    logit_y = jnp.sum(jnp.where(sel, lm, 0.0), axis=1, keepdims=True)
    ce_sum = jnp.sum(lse - logit_y)

    h_t = agg_t_ref[...] / jnp.maximum(deg_t_ref[...], 1.0)
    recon_t = jnp.dot(h_t, w_ed_ref[...],
                      preferred_element_type=jnp.float32) + b_dec_ref[...]
    recon_s = jnp.dot(h_s, w_ed_ref[...],
                      preferred_element_type=jnp.float32) + b_dec_ref[...]
    sce_blk = _sce_rows(recon_t, x_t_ref[...]) + _sce_rows(recon_s, x_s_ref[...])
    flag = jnp.where(i < N_MASK // RB, 1.0, 0.0)
    contrib = ce_sum / N + flag * sce_blk / N_MASK
    out_ref[...] += contrib.reshape(1, 1)


def _finale(agg_t, deg_t, agg_s0, deg_s0, agg_s1a, deg_s1a, agg_s1b, deg_s1b,
            x_t, x_s, y2d, w_ed, b_dec2, w_ec, b_cls2):
    mcap = N_MASK // RB - 1
    locap = HRANGE // RB - 1
    blk = pl.BlockSpec((RB, D), lambda i: (i, 0))
    blk_m = pl.BlockSpec((RB, D), lambda i: (jnp.minimum(i, mcap), 0))
    blk_lo = pl.BlockSpec((RB, D), lambda i: (jnp.minimum(i, locap), 0))
    blk_hi = pl.BlockSpec((RB, D),
                          lambda i: (jnp.maximum(i - (locap + 1), 0), 0))
    col1_m = pl.BlockSpec((RB, 1), lambda i: (jnp.minimum(i, mcap), 0))
    col1_lo = pl.BlockSpec((RB, 1), lambda i: (jnp.minimum(i, locap), 0))
    col1_hi = pl.BlockSpec((RB, 1),
                           lambda i: (jnp.maximum(i - (locap + 1), 0), 0))
    col1 = pl.BlockSpec((RB, 1), lambda i: (i, 0))
    const = pl.BlockSpec((H, D), lambda i: (0, 0))
    row = pl.BlockSpec((1, D), lambda i: (0, 0))
    out = pl.pallas_call(
        _finale_body,
        grid=(NB,),
        in_specs=[blk_m, col1_m, blk_lo, col1_lo,
                  blk_hi, col1_hi, blk_hi, col1_hi,
                  blk_m, blk, col1, const, row, const, row],
        out_specs=pl.BlockSpec((1, 1), lambda i: (0, 0)),
        out_shape=jax.ShapeDtypeStruct((1, 1), jnp.float32),
    )(agg_t, deg_t, agg_s0, deg_s0, agg_s1a, deg_s1a, agg_s1b, deg_s1b,
      x_t, x_s, y2d, w_ed, b_dec2, w_ec, b_cls2)
    return out


def kernel(x_t, edge_index_t, x_s, edge_index_s, y_s,
           enc_mask_token, W_e2d, W_dec, b_dec, W_cls, b_cls):
    f32 = jnp.float32
    w_cls_pad = jnp.zeros((H, D), f32).at[:, :C].set(W_cls)
    b_cls_pad = jnp.zeros((1, D), f32).at[0, :C].set(b_cls)
    b_dec2 = b_dec.reshape(1, D)

    xm, w_ed, w_ec = _prep(x_t, x_s, enc_mask_token, W_e2d, W_dec, w_cls_pad)

    def pack_edges(ei):
        src = ei[0].reshape(EROWS, G)
        dst = ei[1].reshape(EROWS, G)
        pad_n = EROWS_PAD - EROWS
        src = jnp.concatenate(
            [src, jnp.zeros((pad_n, G), jnp.int32)], axis=0)
        dst = jnp.concatenate(
            [dst, jnp.full((pad_n, G), N, jnp.int32)], axis=0)
        return src, dst

    src_t, dst_t = pack_edges(edge_index_t)
    src_s, dst_s = pack_edges(edge_index_s)
    esrc = jnp.concatenate(
        [src_t, src_s + N, jnp.zeros((ERTOT - ER2, G), jnp.int32)],
        axis=0)
    edst = jnp.concatenate(
        [dst_t, dst_s, jnp.full((ERTOT - ER2, G), N, jnp.int32)],
        axis=0)
    dummy = HRANGE + (
        jnp.arange(ERTOT * G, dtype=jnp.int32).reshape(ERTOT, G) % DSPREAD)
    dstrel0 = jnp.where(edst < HRANGE, edst, dummy).astype(jnp.int32)
    r1 = edst - HRANGE
    dstrel1 = jnp.where((r1 >= 0) & (r1 < HRANGE), r1, dummy).astype(jnp.int32)
    esrc5 = esrc.reshape(ER5, CG)
    edst5 = jnp.concatenate([dstrel0, dstrel1], axis=0).reshape(2 * ER5, CG)
    zfeat = jnp.zeros((ZCHUNK, D), f32)
    ones_h = jnp.ones((CG,), f32)

    agg_all, deg_all = _sc_agg(xm, esrc5, edst5, zfeat, ones_h)
    deg3 = deg_all.reshape(4, HRANGE, 1)

    y2d = y_s.reshape(N, 1)
    out = _finale(agg_all[0], deg3[0], agg_all[1], deg3[1],
                  agg_all[2], deg3[2], agg_all[3], deg3[3],
                  x_t, x_s, y2d, w_ed, b_dec2, w_ec, b_cls_pad)
    return out[0, 0]

# --- scband reference (transcript-rebuilt; emitter-appended) ---
"""Pipeline reference for scband-pre-model-137438954406 (READ-ONLY COPY).

The authoritative reference and input builder live on the scoring server;
editing this copy changes nothing except your own understanding.
"""

import jax, jax.numpy as jnp
import numpy as np

N = 10000
E = 320000
D = 128
H = 128
C = 5
MASK_RATE = 0.3
ALPHA = 2.0


def setup_inputs(seed: int = 0) -> dict:
    key = jax.random.key(seed)
    ks = jax.random.split(key, 12)
    x_t = jax.random.normal(ks[0], (N, D), dtype=jnp.float32)
    x_s = jax.random.normal(ks[1], (N, D), dtype=jnp.float32)
    edge_index_t = jax.random.randint(ks[2], (2, E), 0, N, dtype=jnp.int32)
    edge_index_s = jax.random.randint(ks[3], (2, E), 0, N, dtype=jnp.int32)
    y_s = jax.random.randint(ks[4], (N,), 0, C, dtype=jnp.int32)
    enc_mask_token = jnp.zeros((1, D), dtype=jnp.float32)
    W_e2d = jax.random.normal(ks[5], (H, H), dtype=jnp.float32) * (1.0 / np.sqrt(H))
    W_dec = jax.random.normal(ks[6], (H, D), dtype=jnp.float32) * (1.0 / np.sqrt(H))
    b_dec = jnp.zeros((D,), dtype=jnp.float32)
    W_cls = jax.random.normal(ks[7], (H, C), dtype=jnp.float32) * (1.0 / np.sqrt(H))
    b_cls = jnp.zeros((C,), dtype=jnp.float32)
    return {
        'x_t': x_t, 'edge_index_t': edge_index_t,
        'x_s': x_s, 'edge_index_s': edge_index_s,
        'y_s': y_s,
        'enc_mask_token': enc_mask_token,
        'W_e2d': W_e2d, 'W_dec': W_dec, 'b_dec': b_dec,
        'W_cls': W_cls, 'b_cls': b_cls,
    }


def _mean_agg(x, edge_index):
    # dgl-style mean message passing: aggregate src features into dst nodes
    src = edge_index[0]
    dst = edge_index[1]
    msg = jnp.take(x, src, axis=0)
    agg = jax.ops.segment_sum(msg, dst, num_segments=N)
    deg = jax.ops.segment_sum(jnp.ones((edge_index.shape[1],), jnp.float32), dst, num_segments=N)
    return agg / jnp.clip(deg, 1.0)[:, None]


def _sce_loss(x, y, mask):
    # scaled cosine error (sce_loss with alpha=2), averaged over masked nodes
    xn = x / (jnp.linalg.norm(x, axis=-1, keepdims=True) + 1e-8)
    yn = y / (jnp.linalg.norm(y, axis=-1, keepdims=True) + 1e-8)
    cos = jnp.sum(xn * yn, axis=-1)
    per = (1.0 - cos) ** ALPHA
    return jnp.sum(per * mask) / jnp.sum(mask)


def reference(x_t, edge_index_t, x_s, edge_index_s, y_s,
              enc_mask_token, W_e2d, W_dec, b_dec, W_cls, b_cls):
    n_mask = int(N * MASK_RATE)
    mask = (jnp.arange(N) < n_mask).astype(jnp.float32)

    def branch(x, ei):
        # node masking: replace masked node features with enc_mask_token
        xm = jnp.where(mask[:, None] > 0, enc_mask_token, x)
        # graph mean aggregation (message passing over edges)
        h = _mean_agg(xm, ei)
        # encoder_to_decoder linear (no bias)
        rep = h @ W_e2d
        # decoder (decoder_type='linear'): nn.Linear(num_hidden, in_dim)
        recon = rep @ W_dec + b_dec
        return rep, recon

    rep_t, recon_t = branch(x_t, edge_index_t)
    rep_s, recon_s = branch(x_s, edge_index_s)

    loss_rec = _sce_loss(recon_t, x_t, mask) + _sce_loss(recon_s, x_s, mask)

    # cls_model on source representation + cross entropy with y_s
    logits = rep_s @ W_cls + b_cls
    logp = jax.nn.log_softmax(logits, axis=-1)
    ce = -jnp.mean(jnp.take_along_axis(logp, y_s[:, None].astype(jnp.int32), axis=1))

    return loss_rec + ce

if __name__ == "__main__":
    import jax
    _d = setup_inputs()
    print(jax.jit(kernel)(*tuple(_d.values())))

</pallas_src>

<mosaic_0001>
#map = affine_map<(d0, d1) -> (0, 0)>
#map1 = affine_map<(d0, d1) -> (0)>
#map2 = affine_map<(d0, d1) -> (0, 0, 0)>
module attributes {stable_mosaic.version = 14 : i64} {
  func.func @_sc_body(%arg0: i32, %arg1: i32, %arg2: memref<20000x128xf32, #tpu.memory_space<hbm>>, %arg3: memref<5280x128xi32, #tpu.memory_space<hbm>>, %arg4: memref<10560x128xi32, #tpu.memory_space<hbm>>, %arg5: memref<640x128xf32, #tpu.memory_space<hbm>>, %arg6: memref<128xf32, #tpu.memory_space<hbm>>, %arg7: memref<4x5000x128xf32, #tpu.memory_space<hbm>>, %arg8: memref<20000xf32, #tpu.memory_space<hbm>>, %arg9: memref<160x128xi32, #tpu.memory_space<vmem>>, %arg10: memref<160x128xi32, #tpu.memory_space<vmem>>, %arg11: memref<128x128xf32, #tpu.memory_space<vmem>>, %arg12: memref<128x128xf32, #tpu.memory_space<vmem>>, %arg13: memref<128xf32, #tpu.memory_space<vmem>>, %arg14: memref<1000xf32, #tpu.memory_space<vmem>>, %arg15: memref<5120x128xf32, #tpu.memory_space<vmem_shared>>, %arg16: memref<5120xf32, #tpu.memory_space<vmem_shared>>, %arg17: memref<!tpu.dma_semaphore, #tpu.memory_space<semaphore_mem>>, %arg18: memref<!tpu.dma_semaphore, #tpu.memory_space<semaphore_mem>>, %arg19: memref<!tpu.dma_semaphore, #tpu.memory_space<semaphore_mem>>, %arg20: memref<!tpu.dma_semaphore, #tpu.memory_space<semaphore_mem>>, %arg21: memref<!tpu.dma_semaphore, #tpu.memory_space<semaphore_mem>>) attributes {dimension_semantics = [#tpu.dimension_semantics<core_parallel>, #tpu.dimension_semantics<subcore_parallel>], iteration_bounds = array<i64: 2, 16>, scalar_prefetch = 0 : i64, scratch_operands = 13 : i64, tpu.core_type = #tpu.core_type<sc_vector_subcore>, window_params = [{transform_indices = #map}, {transform_indices = #map}, {transform_indices = #map}, {transform_indices = #map}, {transform_indices = #map1}, {transform_indices = #map2}, {transform_indices = #map1}]} {
    "tpu.region"() ({
      %run_scoped3A = tpu.sem_alloc : memref<!tpu.dma_semaphore, #tpu.memory_space<semaphore_mem>>
      tpu.enqueue_dma source(%arg6 : memref<128xf32, #tpu.memory_space<hbm>>) target(%arg13 : memref<128xf32, #tpu.memory_space<vmem>>) target_semaphore(%run_scoped3A : memref<!tpu.dma_semaphore, #tpu.memory_space<semaphore_mem>>)
      tpu.wait_dma2 semaphore(%run_scoped3A : memref<!tpu.dma_semaphore, #tpu.memory_space<semaphore_mem>>) src(%arg6 : memref<128xf32, #tpu.memory_space<hbm>>) dst(%arg13 : memref<128xf32, #tpu.memory_space<vmem>>)
      tpu.yield
    }) : () -> ()
    %lt3A = arith.constant 8 : i32
    %lt3A_0 = arith.cmpi slt, %arg1, %lt3A : i32
    %convert_element_type3A = arith.extui %lt3A_0 : i1 to i32
    %cond3A = arith.constant 0 : i32
    %cond3A_1 = arith.cmpi ne, %convert_element_type3A, %cond3A : i32
    scf.if %cond3A_1 {
      %mul3A_195 = arith.constant 640 : i32
      %mul3A_196 = arith.muli %arg1, %mul3A_195 : i32
      "tpu.region"() ({
        %run_scoped3A = tpu.sem_alloc : memref<!tpu.dma_semaphore, #tpu.memory_space<semaphore_mem>>
        %dma_start3A_197 = arith.constant 0 : i32
        %dma_start3A_198 = tpu.memref_slice %arg15[%mul3A_196, %dma_start3A_197] : memref<5120x128xf32, #tpu.memory_space<vmem_shared>> -> memref<640x128xf32, #tpu.memory_space<vmem_shared>>
        tpu.enqueue_dma source(%arg5 : memref<640x128xf32, #tpu.memory_space<hbm>>) target(%dma_start3A_198 : memref<640x128xf32, #tpu.memory_space<vmem_shared>>) target_semaphore(%run_scoped3A : memref<!tpu.dma_semaphore, #tpu.memory_space<semaphore_mem>>)
        %dma_wait3A_199 = arith.constant 0 : i32
        %dma_wait3A_200 = tpu.memref_slice %arg15[%mul3A_196, %dma_wait3A_199] : memref<5120x128xf32, #tpu.memory_space<vmem_shared>> -> memref<640x128xf32, #tpu.memory_space<vmem_shared>>
        tpu.wait_dma2 semaphore(%run_scoped3A : memref<!tpu.dma_semaphore, #tpu.memory_space<semaphore_mem>>) src(%arg5 : memref<640x128xf32, #tpu.memory_space<hbm>>) dst(%dma_wait3A_200 : memref<640x128xf32, #tpu.memory_space<vmem_shared>>)
        tpu.yield
      }) : () -> ()
    } else {
    }
    %scan3A = arith.constant 0 : i32
    %scan3A_2 = arith.constant 0 : i32
    %scan3A_3 = arith.constant 20 : i32
    %scan3A_4 = arith.addi %scan3A_2, %scan3A_3 : i32
    %scan3A_5 = arith.constant 1 : i32
    scf.for %scan3A_195 = %scan3A_2 to %scan3A_4 step %scan3A_5  : i32 {
      %broadcast_in_dim3A = arith.constant 0.000000e+00 : f32
      %broadcast_in_dim3A_196 = vector.broadcast %broadcast_in_dim3A : f32 to vector<16xf32>
      %mul3A_197 = arith.constant 16 : i32
      %mul3A_198 = arith.muli %scan3A_195, %mul3A_197 : i32
      %swap3A = arith.index_cast %mul3A_198 : i32 to index
      %swap3A_199 = tpu.vector_load %arg14[%swap3A] {strides = array<i32>} : memref<1000xf32, #tpu.memory_space<vmem>>, vector<16xf32>,
      %swap3A_200 = vector.shape_cast %swap3A_199 : vector<16xf32> to vector<16xf32>
      %swap3A_201 = vector.shape_cast %broadcast_in_dim3A_196 : vector<16xf32> to vector<16xf32>
      tpu.vector_store %arg14[%swap3A], %swap3A_201 {strides = array<i32>} : memref<1000xf32, #tpu.memory_space<vmem>>, vector<16xf32>,
    }
    %scan3A_6 = arith.constant 20 : i32
    %mul3A = arith.constant 320 : i32
    %mul3A_7 = arith.muli %arg1, %mul3A : i32
    "tpu.region"() ({
      %run_scoped3A = tpu.sem_alloc : memref<!tpu.dma_semaphore, #tpu.memory_space<semaphore_mem>>
      %dma_start3A_195 = arith.constant 0 : i32
      %dma_start3A_196 = tpu.memref_slice %arg14[%dma_start3A_195] : memref<1000xf32, #tpu.memory_space<vmem>> -> memref<320xf32, #tpu.memory_space<vmem>>
      %dma_start3A_197 = tpu.memref_slice %arg16[%mul3A_7] : memref<5120xf32, #tpu.memory_space<vmem_shared>> -> memref<320xf32, #tpu.memory_space<vmem_shared>>
      %dma_start3A_198 = tpu.memref_slice %arg16[%mul3A_7] : memref<5120xf32, #tpu.memory_space<vmem_shared>> -> memref<320xf32, #tpu.memory_space<vmem_shared>>
      %dma_start3A_199 = arith.constant 0 : i32
      %dma_start3A_200 = tpu.memref_slice %arg14[%dma_start3A_199] : memref<1000xf32, #tpu.memory_space<vmem>> -> memref<320xf32, #tpu.memory_space<vmem>>
      tpu.enqueue_dma source(%dma_start3A_200 : memref<320xf32, #tpu.memory_space<vmem>>) target(%dma_start3A_198 : memref<320xf32, #tpu.memory_space<vmem_shared>>) target_semaphore(%run_scoped3A : memref<!tpu.dma_semaphore, #tpu.memory_space<semaphore_mem>>)
      %dma_wait3A_201 = arith.constant 0 : i32
      %dma_wait3A_202 = tpu.memref_slice %arg14[%dma_wait3A_201] : memref<1000xf32, #tpu.memory_space<vmem>> -> memref<320xf32, #tpu.memory_space<vmem>>
      %dma_wait3A_203 = tpu.memref_slice %arg16[%mul3A_7] : memref<5120xf32, #tpu.memory_space<vmem_shared>> -> memref<320xf32, #tpu.memory_space<vmem_shared>>
      %dma_wait3A_204 = tpu.memref_slice %arg16[%mul3A_7] : memref<5120xf32, #tpu.memory_space<vmem_shared>> -> memref<320xf32, #tpu.memory_space<vmem_shared>>
      %dma_wait3A_205 = arith.constant 0 : i32
      %dma_wait3A_206 = tpu.memref_slice %arg14[%dma_wait3A_205] : memref<1000xf32, #tpu.memory_space<vmem>> -> memref<320xf32, #tpu.memory_space<vmem>>
      tpu.wait_dma2 semaphore(%run_scoped3A : memref<!tpu.dma_semaphore, #tpu.memory_space<semaphore_mem>>) src(%dma_wait3A_206 : memref<320xf32, #tpu.memory_space<vmem>>) dst(%dma_wait3A_204 : memref<320xf32, #tpu.memory_space<vmem_shared>>)
      tpu.yield
    }) : () -> ()
    %mul3A_8 = arith.constant 2560 : i32
    %mul3A_9 = arith.muli %arg0, %mul3A_8 : i32
    %mul3A_10 = arith.constant 160 : i32
    %mul3A_11 = arith.muli %arg1, %mul3A_10 : i32
    %add3A = arith.addi %mul3A_9, %mul3A_11 : i32
    %mul3A_12 = arith.constant 1280 : i32
    %mul3A_13 = arith.muli %arg0, %mul3A_12 : i32
    %add3A_14 = arith.constant 2560 : i32
    %add3A_15 = arith.addi %add3A_14, %mul3A_13 : i32
    %mul3A_16 = arith.constant 80 : i32
    %mul3A_17 = arith.muli %arg1, %mul3A_16 : i32
    %add3A_18 = arith.addi %add3A_15, %mul3A_17 : i32
    %eq3A = arith.constant 0 : i32
    %eq3A_19 = arith.constant 0 : i32
    %eq3A_20 = arith.cmpi eq, %eq3A, %eq3A_19 : i32
    %select_n3A = arith.select %eq3A_20, %add3A, %add3A_18 : i32
    %multiple_of3A = tpu.assume_multiple %select_n3A, 8 : i32
    %mul3A_21 = arith.constant 0 : i32
    %mul3A_22 = arith.constant 5280 : i32
    %mul3A_23 = arith.muli %mul3A_21, %mul3A_22 : i32
    %add3A_24 = arith.addi %mul3A_23, %multiple_of3A : i32
    %multiple_of3A_25 = tpu.assume_multiple %add3A_24, 8 : i32
    %eq3A_26 = arith.constant 0 : i32
    %eq3A_27 = arith.constant 0 : i32
    %eq3A_28 = arith.cmpi eq, %eq3A_26, %eq3A_27 : i32
    %jit3A = arith.constant 160 : i32
    %jit3A_29 = arith.constant 80 : i32
    %select_n3A_30 = arith.select %eq3A_28, %jit3A, %jit3A_29 : i32
    %mul3A_31 = arith.constant 2 : i32
    %mul3A_32 = arith.constant 0 : i32
    %mul3A_33 = arith.muli %mul3A_31, %mul3A_32 : i32
    %add3A_34 = arith.addi %mul3A_33, %arg0 : i32
    "tpu.region"() ({
      %run_scoped3A = tpu.sem_alloc : memref<!tpu.dma_semaphore, #tpu.memory_space<semaphore_mem>>
      %dma_start3A_195 = arith.constant 0 : i32
      %dma_start3A_196 = tpu.memref_slice %arg3[%multiple_of3A, %dma_start3A_195] : memref<5280x128xi32, #tpu.memory_space<hbm>> -> memref<160x128xi32, #tpu.memory_space<hbm>>
      %dma_start3A_197 = arith.constant 0 : i32
      %dma_start3A_198 = tpu.memref_slice %arg3[%multiple_of3A, %dma_start3A_197] : memref<5280x128xi32, #tpu.memory_space<hbm>> -> memref<160x128xi32, #tpu.memory_space<hbm>>
      tpu.enqueue_dma source(%dma_start3A_198 : memref<160x128xi32, #tpu.memory_space<hbm>>) target(%arg9 : memref<160x128xi32, #tpu.memory_space<vmem>>) target_semaphore(%run_scoped3A : memref<!tpu.dma_semaphore, #tpu.memory_space<semaphore_mem>>)
      %dma_wait3A_199 = arith.constant 0 : i32
      %dma_wait3A_200 = tpu.memref_slice %arg3[%multiple_of3A, %dma_wait3A_199] : memref<5280x128xi32, #tpu.memory_space<hbm>> -> memref<160x128xi32, #tpu.memory_space<hbm>>
      %dma_wait3A_201 = arith.constant 0 : i32
      %dma_wait3A_202 = tpu.memref_slice %arg3[%multiple_of3A, %dma_wait3A_201] : memref<5280x128xi32, #tpu.memory_space<hbm>> -> memref<160x128xi32, #tpu.memory_space<hbm>>
      tpu.wait_dma2 semaphore(%run_scoped3A : memref<!tpu.dma_semaphore, #tpu.memory_space<semaphore_mem>>) src(%dma_wait3A_202 : memref<160x128xi32, #tpu.memory_space<hbm>>) dst(%arg9 : memref<160x128xi32, #tpu.memory_space<vmem>>)
      tpu.yield
    }) : () -> ()
    "tpu.region"() ({
      %run_scoped3A = tpu.sem_alloc : memref<!tpu.dma_semaphore, #tpu.memory_space<semaphore_mem>>
      %dma_start3A_195 = arith.constant 0 : i32
      %dma_start3A_196 = tpu.memref_slice %arg4[%multiple_of3A_25, %dma_start3A_195] : memref<10560x128xi32, #tpu.memory_space<hbm>> -> memref<160x128xi32, #tpu.memory_space<hbm>>
      %dma_start3A_197 = arith.constant 0 : i32
      %dma_start3A_198 = tpu.memref_slice %arg4[%multiple_of3A_25, %dma_start3A_197] : memref<10560x128xi32, #tpu.memory_space<hbm>> -> memref<160x128xi32, #tpu.memory_space<hbm>>
      tpu.enqueue_dma source(%dma_start3A_198 : memref<160x128xi32, #tpu.memory_space<hbm>>) target(%arg10 : memref<160x128xi32, #tpu.memory_space<vmem>>) target_semaphore(%run_scoped3A : memref<!tpu.dma_semaphore, #tpu.memory_space<semaphore_mem>>)
      %dma_wait3A_199 = arith.constant 0 : i32
      %dma_wait3A_200 = tpu.memref_slice %arg4[%multiple_of3A_25, %dma_wait3A_199] : memref<10560x128xi32, #tpu.memory_space<hbm>> -> memref<160x128xi32, #tpu.memory_space<hbm>>
      %dma_wait3A_201 = arith.constant 0 : i32
      %dma_wait3A_202 = tpu.memref_slice %arg4[%multiple_of3A_25, %dma_wait3A_201] : memref<10560x128xi32, #tpu.memory_space<hbm>> -> memref<160x128xi32, #tpu.memory_space<hbm>>
      tpu.wait_dma2 semaphore(%run_scoped3A : memref<!tpu.dma_semaphore, #tpu.memory_space<semaphore_mem>>) src(%dma_wait3A_202 : memref<160x128xi32, #tpu.memory_space<hbm>>) dst(%arg10 : memref<160x128xi32, #tpu.memory_space<vmem>>)
      tpu.yield
    }) : () -> ()
    %barrier3A = arith.constant 0 : index
    tpu.barrier barrier_id(%barrier3A)
    %dma_start3A = arith.constant 0 : i32
    %dma_start3A_35 = arith.constant 0 : i32
    %dma_start3A_36 = tpu.memref_slice %arg9[%dma_start3A, %dma_start3A_35] : memref<160x128xi32, #tpu.memory_space<vmem>> -> memref<1x128xi32, #tpu.memory_space<vmem>>
    %dma_start3A_37 = tpu.memref_squeeze %dma_start3A_36 : memref<1x128xi32, #tpu.memory_space<vmem>> -> memref<128xi32, #tpu.memory_space<vmem>>
    %dma_start3A_38 = arith.constant 0 : i32
    %dma_start3A_39 = arith.constant 0 : i32
    %dma_start3A_40 = tpu.memref_slice %arg2[%dma_start3A_38, %dma_start3A_39] : memref<20000x128xf32, #tpu.memory_space<hbm>> -> memref<20000x128xf32, #tpu.memory_space<hbm>>
    tpu.enqueue_indirect_dma source(%dma_start3A_40 : memref<20000x128xf32, #tpu.memory_space<hbm>>) target(%arg11 : memref<128x128xf32, #tpu.memory_space<vmem>>) offsets(%dma_start3A_37 : memref<128xi32, #tpu.memory_space<vmem>>) semaphore(%arg17 : memref<!tpu.dma_semaphore, #tpu.memory_space<semaphore_mem>>)
    %jit3A_41 = arith.constant 2 : i32
    %div3A = arith.divsi %select_n3A_30, %jit3A_41 : i32
    %sign3A = arith.constant 0 : i32
    %sign3A_42 = arith.cmpi sgt, %select_n3A_30, %sign3A : i32
    %sign3A_43 = arith.extui %sign3A_42 : i1 to i32
    %sign3A_44 = arith.constant 0 : i32
    %sign3A_45 = arith.cmpi slt, %select_n3A_30, %sign3A_44 : i32
    %sign3A_46 = arith.extui %sign3A_45 : i1 to i32
    %sign3A_47 = arith.subi %sign3A_43, %sign3A_46 : i32
    %sign3A_48 = arith.constant 0 : i32
    %sign3A_49 = arith.cmpi sgt, %jit3A_41, %sign3A_48 : i32
    %sign3A_50 = arith.extui %sign3A_49 : i1 to i32
    %sign3A_51 = arith.constant 0 : i32
    %sign3A_52 = arith.cmpi slt, %jit3A_41, %sign3A_51 : i32
    %sign3A_53 = arith.extui %sign3A_52 : i1 to i32
    %sign3A_54 = arith.subi %sign3A_50, %sign3A_53 : i32
    %ne3A = arith.cmpi ne, %sign3A_47, %sign3A_54 : i32
    %rem3A = arith.remsi %select_n3A_30, %jit3A_41 : i32
    %ne3A_55 = arith.constant 0 : i32
    %ne3A_56 = arith.cmpi ne, %rem3A, %ne3A_55 : i32
    %and3A = arith.andi %ne3A, %ne3A_56 : i1
    %sub3A = arith.constant 1 : i32
    %sub3A_57 = arith.subi %div3A, %sub3A : i32
    %select_n3A_58 = arith.select %and3A, %sub3A_57, %div3A : i32
    %while3A = arith.constant 0 : i32
    %while3A_59 = arith.constant 0 : i32
    %while3A_60 = arith.subi %select_n3A_58, %while3A_59 : i32
    %while3A_61 = arith.addi %while3A_59, %while3A_60 : i32
    %while3A_62 = arith.constant 1 : i32
    %while3A_63 = arith.divsi %while3A_60, %while3A_62 : i32
    %while3A_64 = arith.muli %while3A_63, %while3A_62 : i32
    %while3A_65 = arith.addi %while3A_59, %while3A_64 : i32
    %while3A_66 = arith.constant 1 : i32
    scf.for %while3A_195 = %while3A_59 to %while3A_65 step %while3A_66  : i32 {
      %mul3A_196 = arith.constant 2 : i32
      %mul3A_197 = arith.muli %mul3A_196, %while3A_195 : i32
      %add3A_198 = arith.constant 0 : i32
      %add3A_199 = arith.addi %mul3A_197, %add3A_198 : i32
      %dma_wait3A_200 = arith.constant 0 : i32
      %dma_wait3A_201 = arith.constant 0 : i32
      %dma_wait3A_202 = tpu.memref_slice %arg9[%dma_wait3A_200, %dma_wait3A_201] : memref<160x128xi32, #tpu.memory_space<vmem>> -> memref<1x128xi32, #tpu.memory_space<vmem>>
      %dma_wait3A_203 = tpu.memref_squeeze %dma_wait3A_202 : memref<1x128xi32, #tpu.memory_space<vmem>> -> memref<128xi32, #tpu.memory_space<vmem>>
      %dma_wait3A_204 = arith.constant 0 : i32
      %dma_wait3A_205 = arith.constant 0 : i32
      %dma_wait3A_206 = tpu.memref_slice %arg2[%dma_wait3A_204, %dma_wait3A_205] : memref<20000x128xf32, #tpu.memory_space<hbm>> -> memref<20000x128xf32, #tpu.memory_space<hbm>>
      tpu.wait_indirect_dma semaphore(%arg17 : memref<!tpu.dma_semaphore, #tpu.memory_space<semaphore_mem>>) src(%dma_wait3A_206 : memref<20000x128xf32, #tpu.memory_space<hbm>>) dst(%arg11 : memref<128x128xf32, #tpu.memory_space<vmem>>)
      %add3A_207 = arith.constant 1 : i32
      %add3A_208 = arith.addi %add3A_199, %add3A_207 : i32
      %lt3A_209 = arith.cmpi slt, %add3A_208, %select_n3A_30 : i32
      %convert_element_type3A_210 = arith.extui %lt3A_209 : i1 to i32
      %cond3A_211 = arith.constant 0 : i32
      %cond3A_212 = arith.cmpi ne, %convert_element_type3A_210, %cond3A_211 : i32
      scf.if %cond3A_212 {
        %add3A_250 = arith.constant 1 : i32
        %add3A_251 = arith.addi %add3A_199, %add3A_250 : i32
        %dma_start3A_252 = arith.constant 0 : i32
        %dma_start3A_253 = tpu.memref_slice %arg9[%add3A_251, %dma_start3A_252] : memref<160x128xi32, #tpu.memory_space<vmem>> -> memref<1x128xi32, #tpu.memory_space<vmem>>
        %dma_start3A_254 = tpu.memref_squeeze %dma_start3A_253 : memref<1x128xi32, #tpu.memory_space<vmem>> -> memref<128xi32, #tpu.memory_space<vmem>>
        %dma_start3A_255 = arith.constant 0 : i32
        %dma_start3A_256 = arith.constant 0 : i32
        %dma_start3A_257 = tpu.memref_slice %arg2[%dma_start3A_255, %dma_start3A_256] : memref<20000x128xf32, #tpu.memory_space<hbm>> -> memref<20000x128xf32, #tpu.memory_space<hbm>>
        tpu.enqueue_indirect_dma source(%dma_start3A_257 : memref<20000x128xf32, #tpu.memory_space<hbm>>) target(%arg12 : memref<128x128xf32, #tpu.memory_space<vmem>>) offsets(%dma_start3A_254 : memref<128xi32, #tpu.memory_space<vmem>>) semaphore(%arg18 : memref<!tpu.dma_semaphore, #tpu.memory_space<semaphore_mem>>)
      } else {
      }
      "tpu.region"() ({
        %run_scoped3A = tpu.sem_alloc : memref<!tpu.dma_semaphore, #tpu.memory_space<semaphore_mem>>
        %dma_start3A_250 = arith.constant 0 : i32
        %dma_start3A_251 = tpu.memref_slice %arg10[%add3A_199, %dma_start3A_250] : memref<160x128xi32, #tpu.memory_space<vmem>> -> memref<1x128xi32, #tpu.memory_space<vmem>>
        %dma_start3A_252 = tpu.memref_squeeze %dma_start3A_251 : memref<1x128xi32, #tpu.memory_space<vmem>> -> memref<128xi32, #tpu.memory_space<vmem>>
        %dma_start3A_253 = arith.constant 0 : i32
        %dma_start3A_254 = arith.constant 0 : i32
        %dma_start3A_255 = tpu.memref_slice %arg15[%dma_start3A_253, %dma_start3A_254] : memref<5120x128xf32, #tpu.memory_space<vmem_shared>> -> memref<5120x128xf32, #tpu.memory_space<vmem_shared>>
        tpu.enqueue_indirect_dma source(%arg11 : memref<128x128xf32, #tpu.memory_space<vmem>>) target(%dma_start3A_255 : memref<5120x128xf32, #tpu.memory_space<vmem_shared>>) offsets(%dma_start3A_252 : memref<128xi32, #tpu.memory_space<vmem>>) semaphore(%run_scoped3A : memref<!tpu.dma_semaphore, #tpu.memory_space<semaphore_mem>>) {add = true}
        %dma_wait3A_256 = arith.constant 0 : i32
        %dma_wait3A_257 = tpu.memref_slice %arg10[%add3A_199, %dma_wait3A_256] : memref<160x128xi32, #tpu.memory_space<vmem>> -> memref<1x128xi32, #tpu.memory_space<vmem>>
        %dma_wait3A_258 = tpu.memref_squeeze %dma_wait3A_257 : memref<1x128xi32, #tpu.memory_space<vmem>> -> memref<128xi32, #tpu.memory_space<vmem>>
        %dma_wait3A_259 = arith.constant 0 : i32
        %dma_wait3A_260 = arith.constant 0 : i32
        %dma_wait3A_261 = tpu.memref_slice %arg15[%dma_wait3A_259, %dma_wait3A_260] : memref<5120x128xf32, #tpu.memory_space<vmem_shared>> -> memref<5120x128xf32, #tpu.memory_space<vmem_shared>>
        tpu.wait_indirect_dma semaphore(%run_scoped3A : memref<!tpu.dma_semaphore, #tpu.memory_space<semaphore_mem>>) src(%arg11 : memref<128x128xf32, #tpu.memory_space<vmem>>) dst(%dma_wait3A_261 : memref<5120x128xf32, #tpu.memory_space<vmem_shared>>)
        tpu.yield
      }) : () -> ()
      %ge3A_213 = arith.constant 1 : i32
      %ge3A_214 = arith.cmpi sge, %add3A_199, %ge3A_213 : i32
      %convert_element_type3A_215 = arith.extui %ge3A_214 : i1 to i32
      %cond3A_216 = arith.constant 0 : i32
      %cond3A_217 = arith.cmpi ne, %convert_element_type3A_215, %cond3A_216 : i32
      scf.if %cond3A_217 {
        %dma_wait3A_250 = arith.constant 0 : i32
        %dma_wait3A_251 = arith.constant 0 : i32
        %dma_wait3A_252 = tpu.memref_slice %arg10[%dma_wait3A_250, %dma_wait3A_251] : memref<160x128xi32, #tpu.memory_space<vmem>> -> memref<1x128xi32, #tpu.memory_space<vmem>>
        %dma_wait3A_253 = tpu.memref_squeeze %dma_wait3A_252 : memref<1x128xi32, #tpu.memory_space<vmem>> -> memref<128xi32, #tpu.memory_space<vmem>>
        %dma_wait3A_254 = arith.constant 0 : i32
        %dma_wait3A_255 = tpu.memref_slice %arg16[%dma_wait3A_254] : memref<5120xf32, #tpu.memory_space<vmem_shared>> -> memref<5120xf32, #tpu.memory_space<vmem_shared>>
        tpu.wait_indirect_dma semaphore(%arg21 : memref<!tpu.dma_semaphore, #tpu.memory_space<semaphore_mem>>) src(%arg13 : memref<128xf32, #tpu.memory_space<vmem>>) dst(%dma_wait3A_255 : memref<5120xf32, #tpu.memory_space<vmem_shared>>)
      } else {
      }
      %dma_start3A_218 = arith.constant 0 : i32
      %dma_start3A_219 = tpu.memref_slice %arg10[%add3A_199, %dma_start3A_218] : memref<160x128xi32, #tpu.memory_space<vmem>> -> memref<1x128xi32, #tpu.memory_space<vmem>>
      %dma_start3A_220 = tpu.memref_squeeze %dma_start3A_219 : memref<1x128xi32, #tpu.memory_space<vmem>> -> memref<128xi32, #tpu.memory_space<vmem>>
      %dma_start3A_221 = arith.constant 0 : i32
      %dma_start3A_222 = tpu.memref_slice %arg16[%dma_start3A_221] : memref<5120xf32, #tpu.memory_space<vmem_shared>> -> memref<5120xf32, #tpu.memory_space<vmem_shared>>
      tpu.enqueue_indirect_dma source(%arg13 : memref<128xf32, #tpu.memory_space<vmem>>) target(%dma_start3A_222 : memref<5120xf32, #tpu.memory_space<vmem_shared>>) offsets(%dma_start3A_220 : memref<128xi32, #tpu.memory_space<vmem>>) semaphore(%arg21 : memref<!tpu.dma_semaphore, #tpu.memory_space<semaphore_mem>>) {add = true}
      %mul3A_223 = arith.constant 2 : i32
      %mul3A_224 = arith.muli %mul3A_223, %while3A_195 : i32
      %add3A_225 = arith.constant 1 : i32
      %add3A_226 = arith.addi %mul3A_224, %add3A_225 : i32
      %dma_wait3A_227 = arith.constant 0 : i32
      %dma_wait3A_228 = arith.constant 0 : i32
      %dma_wait3A_229 = tpu.memref_slice %arg9[%dma_wait3A_227, %dma_wait3A_228] : memref<160x128xi32, #tpu.memory_space<vmem>> -> memref<1x128xi32, #tpu.memory_space<vmem>>
      %dma_wait3A_230 = tpu.memref_squeeze %dma_wait3A_229 : memref<1x128xi32, #tpu.memory_space<vmem>> -> memref<128xi32, #tpu.memory_space<vmem>>
      %dma_wait3A_231 = arith.constant 0 : i32
      %dma_wait3A_232 = arith.constant 0 : i32
      %dma_wait3A_233 = tpu.memref_slice %arg2[%dma_wait3A_231, %dma_wait3A_232] : memref<20000x128xf32, #tpu.memory_space<hbm>> -> memref<20000x128xf32, #tpu.memory_space<hbm>>
      tpu.wait_indirect_dma semaphore(%arg18 : memref<!tpu.dma_semaphore, #tpu.memory_space<semaphore_mem>>) src(%dma_wait3A_233 : memref<20000x128xf32, #tpu.memory_space<hbm>>) dst(%arg12 : memref<128x128xf32, #tpu.memory_space<vmem>>)
      %add3A_234 = arith.constant 1 : i32
      %add3A_235 = arith.addi %add3A_226, %add3A_234 : i32
      %lt3A_236 = arith.cmpi slt, %add3A_235, %select_n3A_30 : i32
      %convert_element_type3A_237 = arith.extui %lt3A_236 : i1 to i32
      %cond3A_238 = arith.constant 0 : i32
      %cond3A_239 = arith.cmpi ne, %convert_element_type3A_237, %cond3A_238 : i32
      scf.if %cond3A_239 {
        %add3A_250 = arith.constant 1 : i32
        %add3A_251 = arith.addi %add3A_226, %add3A_250 : i32
        %dma_start3A_252 = arith.constant 0 : i32
        %dma_start3A_253 = tpu.memref_slice %arg9[%add3A_251, %dma_start3A_252] : memref<160x128xi32, #tpu.memory_space<vmem>> -> memref<1x128xi32, #tpu.memory_space<vmem>>
        %dma_start3A_254 = tpu.memref_squeeze %dma_start3A_253 : memref<1x128xi32, #tpu.memory_space<vmem>> -> memref<128xi32, #tpu.memory_space<vmem>>
        %dma_start3A_255 = arith.constant 0 : i32
        %dma_start3A_256 = arith.constant 0 : i32
        %dma_start3A_257 = tpu.memref_slice %arg2[%dma_start3A_255, %dma_start3A_256] : memref<20000x128xf32, #tpu.memory_space<hbm>> -> memref<20000x128xf32, #tpu.memory_space<hbm>>
        tpu.enqueue_indirect_dma source(%dma_start3A_257 : memref<20000x128xf32, #tpu.memory_space<hbm>>) target(%arg11 : memref<128x128xf32, #tpu.memory_space<vmem>>) offsets(%dma_start3A_254 : memref<128xi32, #tpu.memory_space<vmem>>) semaphore(%arg17 : memref<!tpu.dma_semaphore, #tpu.memory_space<semaphore_mem>>)
      } else {
      }
      "tpu.region"() ({
        %run_scoped3A = tpu.sem_alloc : memref<!tpu.dma_semaphore, #tpu.memory_space<semaphore_mem>>
        %dma_start3A_250 = arith.constant 0 : i32
        %dma_start3A_251 = tpu.memref_slice %arg10[%add3A_226, %dma_start3A_250] : memref<160x128xi32, #tpu.memory_space<vmem>> -> memref<1x128xi32, #tpu.memory_space<vmem>>
        %dma_start3A_252 = tpu.memref_squeeze %dma_start3A_251 : memref<1x128xi32, #tpu.memory_space<vmem>> -> memref<128xi32, #tpu.memory_space<vmem>>
        %dma_start3A_253 = arith.constant 0 : i32
        %dma_start3A_254 = arith.constant 0 : i32
        %dma_start3A_255 = tpu.memref_slice %arg15[%dma_start3A_253, %dma_start3A_254] : memref<5120x128xf32, #tpu.memory_space<vmem_shared>> -> memref<5120x128xf32, #tpu.memory_space<vmem_shared>>
        tpu.enqueue_indirect_dma source(%arg12 : memref<128x128xf32, #tpu.memory_space<vmem>>) target(%dma_start3A_255 : memref<5120x128xf32, #tpu.memory_space<vmem_shared>>) offsets(%dma_start3A_252 : memref<128xi32, #tpu.memory_space<vmem>>) semaphore(%run_scoped3A : memref<!tpu.dma_semaphore, #tpu.memory_space<semaphore_mem>>) {add = true}
        %dma_wait3A_256 = arith.constant 0 : i32
        %dma_wait3A_257 = tpu.memref_slice %arg10[%add3A_226, %dma_wait3A_256] : memref<160x128xi32, #tpu.memory_space<vmem>> -> memref<1x128xi32, #tpu.memory_space<vmem>>
        %dma_wait3A_258 = tpu.memref_squeeze %dma_wait3A_257 : memref<1x128xi32, #tpu.memory_space<vmem>> -> memref<128xi32, #tpu.memory_space<vmem>>
        %dma_wait3A_259 = arith.constant 0 : i32
        %dma_wait3A_260 = arith.constant 0 : i32
        %dma_wait3A_261 = tpu.memref_slice %arg15[%dma_wait3A_259, %dma_wait3A_260] : memref<5120x128xf32, #tpu.memory_space<vmem_shared>> -> memref<5120x128xf32, #tpu.memory_space<vmem_shared>>
        tpu.wait_indirect_dma semaphore(%run_scoped3A : memref<!tpu.dma_semaphore, #tpu.memory_space<semaphore_mem>>) src(%arg12 : memref<128x128xf32, #tpu.memory_space<vmem>>) dst(%dma_wait3A_261 : memref<5120x128xf32, #tpu.memory_space<vmem_shared>>)
        tpu.yield
      }) : () -> ()
      %ge3A_240 = arith.constant 1 : i32
      %ge3A_241 = arith.cmpi sge, %add3A_226, %ge3A_240 : i32
      %convert_element_type3A_242 = arith.extui %ge3A_241 : i1 to i32
      %cond3A_243 = arith.constant 0 : i32
      %cond3A_244 = arith.cmpi ne, %convert_element_type3A_242, %cond3A_243 : i32
      scf.if %cond3A_244 {
        %dma_wait3A_250 = arith.constant 0 : i32
        %dma_wait3A_251 = arith.constant 0 : i32
        %dma_wait3A_252 = tpu.memref_slice %arg10[%dma_wait3A_250, %dma_wait3A_251] : memref<160x128xi32, #tpu.memory_space<vmem>> -> memref<1x128xi32, #tpu.memory_space<vmem>>
        %dma_wait3A_253 = tpu.memref_squeeze %dma_wait3A_252 : memref<1x128xi32, #tpu.memory_space<vmem>> -> memref<128xi32, #tpu.memory_space<vmem>>
        %dma_wait3A_254 = arith.constant 0 : i32
        %dma_wait3A_255 = tpu.memref_slice %arg16[%dma_wait3A_254] : memref<5120xf32, #tpu.memory_space<vmem_shared>> -> memref<5120xf32, #tpu.memory_space<vmem_shared>>
        tpu.wait_indirect_dma semaphore(%arg21 : memref<!tpu.dma_semaphore, #tpu.memory_space<semaphore_mem>>) src(%arg13 : memref<128xf32, #tpu.memory_space<vmem>>) dst(%dma_wait3A_255 : memref<5120xf32, #tpu.memory_space<vmem_shared>>)
      } else {
      }
      %dma_start3A_245 = arith.constant 0 : i32
      %dma_start3A_246 = tpu.memref_slice %arg10[%add3A_226, %dma_start3A_245] : memref<160x128xi32, #tpu.memory_space<vmem>> -> memref<1x128xi32, #tpu.memory_space<vmem>>
      %dma_start3A_247 = tpu.memref_squeeze %dma_start3A_246 : memref<1x128xi32, #tpu.memory_space<vmem>> -> memref<128xi32, #tpu.memory_space<vmem>>
      %dma_start3A_248 = arith.constant 0 : i32
      %dma_start3A_249 = tpu.memref_slice %arg16[%dma_start3A_248] : memref<5120xf32, #tpu.memory_space<vmem_shared>> -> memref<5120xf32, #tpu.memory_space<vmem_shared>>
      tpu.enqueue_indirect_dma source(%arg13 : memref<128xf32, #tpu.memory_space<vmem>>) target(%dma_start3A_249 : memref<5120xf32, #tpu.memory_space<vmem_shared>>) offsets(%dma_start3A_247 : memref<128xi32, #tpu.memory_space<vmem>>) semaphore(%arg21 : memref<!tpu.dma_semaphore, #tpu.memory_space<semaphore_mem>>) {add = true}
    }
    %while3A_67 = arith.constant 1 : i32
    scf.for %while3A_195 = %while3A_65 to %while3A_61 step %while3A_67  : i32 {
      %mul3A_196 = arith.constant 2 : i32
      %mul3A_197 = arith.muli %mul3A_196, %while3A_195 : i32
      %add3A_198 = arith.constant 0 : i32
      %add3A_199 = arith.addi %mul3A_197, %add3A_198 : i32
      %dma_wait3A_200 = arith.constant 0 : i32
      %dma_wait3A_201 = arith.constant 0 : i32
      %dma_wait3A_202 = tpu.memref_slice %arg9[%dma_wait3A_200, %dma_wait3A_201] : memref<160x128xi32, #tpu.memory_space<vmem>> -> memref<1x128xi32, #tpu.memory_space<vmem>>
      %dma_wait3A_203 = tpu.memref_squeeze %dma_wait3A_202 : memref<1x128xi32, #tpu.memory_space<vmem>> -> memref<128xi32, #tpu.memory_space<vmem>>
      %dma_wait3A_204 = arith.constant 0 : i32
      %dma_wait3A_205 = arith.constant 0 : i32
      %dma_wait3A_206 = tpu.memref_slice %arg2[%dma_wait3A_204, %dma_wait3A_205] : memref<20000x128xf32, #tpu.memory_space<hbm>> -> memref<20000x128xf32, #tpu.memory_space<hbm>>
      tpu.wait_indirect_dma semaphore(%arg17 : memref<!tpu.dma_semaphore, #tpu.memory_space<semaphore_mem>>) src(%dma_wait3A_206 : memref<20000x128xf32, #tpu.memory_space<hbm>>) dst(%arg11 : memref<128x128xf32, #tpu.memory_space<vmem>>)
      %add3A_207 = arith.constant 1 : i32
      %add3A_208 = arith.addi %add3A_199, %add3A_207 : i32
      %lt3A_209 = arith.cmpi slt, %add3A_208, %select_n3A_30 : i32
      %convert_element_type3A_210 = arith.extui %lt3A_209 : i1 to i32
      %cond3A_211 = arith.constant 0 : i32
      %cond3A_212 = arith.cmpi ne, %convert_element_type3A_210, %cond3A_211 : i32
      scf.if %cond3A_212 {
        %add3A_250 = arith.constant 1 : i32
        %add3A_251 = arith.addi %add3A_199, %add3A_250 : i32
        %dma_start3A_252 = arith.constant 0 : i32
        %dma_start3A_253 = tpu.memref_slice %arg9[%add3A_251, %dma_start3A_252] : memref<160x128xi32, #tpu.memory_space<vmem>> -> memref<1x128xi32, #tpu.memory_space<vmem>>
        %dma_start3A_254 = tpu.memref_squeeze %dma_start3A_253 : memref<1x128xi32, #tpu.memory_space<vmem>> -> memref<128xi32, #tpu.memory_space<vmem>>
        %dma_start3A_255 = arith.constant 0 : i32
        %dma_start3A_256 = arith.constant 0 : i32
        %dma_start3A_257 = tpu.memref_slice %arg2[%dma_start3A_255, %dma_start3A_256] : memref<20000x128xf32, #tpu.memory_space<hbm>> -> memref<20000x128xf32, #tpu.memory_space<hbm>>
        tpu.enqueue_indirect_dma source(%dma_start3A_257 : memref<20000x128xf32, #tpu.memory_space<hbm>>) target(%arg12 : memref<128x128xf32, #tpu.memory_space<vmem>>) offsets(%dma_start3A_254 : memref<128xi32, #tpu.memory_space<vmem>>) semaphore(%arg18 : memref<!tpu.dma_semaphore, #tpu.memory_space<semaphore_mem>>)
      } else {
      }
      "tpu.region"() ({
        %run_scoped3A = tpu.sem_alloc : memref<!tpu.dma_semaphore, #tpu.memory_space<semaphore_mem>>
        %dma_start3A_250 = arith.constant 0 : i32
        %dma_start3A_251 = tpu.memref_slice %arg10[%add3A_199, %dma_start3A_250] : memref<160x128xi32, #tpu.memory_space<vmem>> -> memref<1x128xi32, #tpu.memory_space<vmem>>
        %dma_start3A_252 = tpu.memref_squeeze %dma_start3A_251 : memref<1x128xi32, #tpu.memory_space<vmem>> -> memref<128xi32, #tpu.memory_space<vmem>>
        %dma_start3A_253 = arith.constant 0 : i32
        %dma_start3A_254 = arith.constant 0 : i32
        %dma_start3A_255 = tpu.memref_slice %arg15[%dma_start3A_253, %dma_start3A_254] : memref<5120x128xf32, #tpu.memory_space<vmem_shared>> -> memref<5120x128xf32, #tpu.memory_space<vmem_shared>>
        tpu.enqueue_indirect_dma source(%arg11 : memref<128x128xf32, #tpu.memory_space<vmem>>) target(%dma_start3A_255 : memref<5120x128xf32, #tpu.memory_space<vmem_shared>>) offsets(%dma_start3A_252 : memref<128xi32, #tpu.memory_space<vmem>>) semaphore(%run_scoped3A : memref<!tpu.dma_semaphore, #tpu.memory_space<semaphore_mem>>) {add = true}
        %dma_wait3A_256 = arith.constant 0 : i32
        %dma_wait3A_257 = tpu.memref_slice %arg10[%add3A_199, %dma_wait3A_256] : memref<160x128xi32, #tpu.memory_space<vmem>> -> memref<1x128xi32, #tpu.memory_space<vmem>>
        %dma_wait3A_258 = tpu.memref_squeeze %dma_wait3A_257 : memref<1x128xi32, #tpu.memory_space<vmem>> -> memref<128xi32, #tpu.memory_space<vmem>>
        %dma_wait3A_259 = arith.constant 0 : i32
        %dma_wait3A_260 = arith.constant 0 : i32
        %dma_wait3A_261 = tpu.memref_slice %arg15[%dma_wait3A_259, %dma_wait3A_260] : memref<5120x128xf32, #tpu.memory_space<vmem_shared>> -> memref<5120x128xf32, #tpu.memory_space<vmem_shared>>
        tpu.wait_indirect_dma semaphore(%run_scoped3A : memref<!tpu.dma_semaphore, #tpu.memory_space<semaphore_mem>>) src(%arg11 : memref<128x128xf32, #tpu.memory_space<vmem>>) dst(%dma_wait3A_261 : memref<5120x128xf32, #tpu.memory_space<vmem_shared>>)
        tpu.yield
      }) : () -> ()
      %ge3A_213 = arith.constant 1 : i32
      %ge3A_214 = arith.cmpi sge, %add3A_199, %ge3A_213 : i32
      %convert_element_type3A_215 = arith.extui %ge3A_214 : i1 to i32
      %cond3A_216 = arith.constant 0 : i32
      %cond3A_217 = arith.cmpi ne, %convert_element_type3A_215, %cond3A_216 : i32
      scf.if %cond3A_217 {
        %dma_wait3A_250 = arith.constant 0 : i32
        %dma_wait3A_251 = arith.constant 0 : i32
        %dma_wait3A_252 = tpu.memref_slice %arg10[%dma_wait3A_250, %dma_wait3A_251] : memref<160x128xi32, #tpu.memory_space<vmem>> -> memref<1x128xi32, #tpu.memory_space<vmem>>
        %dma_wait3A_253 = tpu.memref_squeeze %dma_wait3A_252 : memref<1x128xi32, #tpu.memory_space<vmem>> -> memref<128xi32, #tpu.memory_space<vmem>>
        %dma_wait3A_254 = arith.constant 0 : i32
        %dma_wait3A_255 = tpu.memref_slice %arg16[%dma_wait3A_254] : memref<5120xf32, #tpu.memory_space<vmem_shared>> -> memref<5120xf32, #tpu.memory_space<vmem_shared>>
        tpu.wait_indirect_dma semaphore(%arg21 : memref<!tpu.dma_semaphore, #tpu.memory_space<semaphore_mem>>) src(%arg13 : memref<128xf32, #tpu.memory_space<vmem>>) dst(%dma_wait3A_255 : memref<5120xf32, #tpu.memory_space<vmem_shared>>)
      } else {
      }
      %dma_start3A_218 = arith.constant 0 : i32
      %dma_start3A_219 = tpu.memref_slice %arg10[%add3A_199, %dma_start3A_218] : memref<160x128xi32, #tpu.memory_space<vmem>> -> memref<1x128xi32, #tpu.memory_space<vmem>>
      %dma_start3A_220 = tpu.memref_squeeze %dma_start3A_219 : memref<1x128xi32, #tpu.memory_space<vmem>> -> memref<128xi32, #tpu.memory_space<vmem>>
      %dma_start3A_221 = arith.constant 0 : i32
      %dma_start3A_222 = tpu.memref_slice %arg16[%dma_start3A_221] : memref<5120xf32, #tpu.memory_space<vmem_shared>> -> memref<5120xf32, #tpu.memory_space<vmem_shared>>
      tpu.enqueue_indirect_dma source(%arg13 : memref<128xf32, #tpu.memory_space<vmem>>) target(%dma_start3A_222 : memref<5120xf32, #tpu.memory_space<vmem_shared>>) offsets(%dma_start3A_220 : memref<128xi32, #tpu.memory_space<vmem>>) semaphore(%arg21 : memref<!tpu.dma_semaphore, #tpu.memory_space<semaphore_mem>>) {add = true}
      %mul3A_223 = arith.constant 2 : i32
      %mul3A_224 = arith.muli %mul3A_223, %while3A_195 : i32
      %add3A_225 = arith.constant 1 : i32
      %add3A_226 = arith.addi %mul3A_224, %add3A_225 : i32
      %dma_wait3A_227 = arith.constant 0 : i32
      %dma_wait3A_228 = arith.constant 0 : i32
      %dma_wait3A_229 = tpu.memref_slice %arg9[%dma_wait3A_227, %dma_wait3A_228] : memref<160x128xi32, #tpu.memory_space<vmem>> -> memref<1x128xi32, #tpu.memory_space<vmem>>
      %dma_wait3A_230 = tpu.memref_squeeze %dma_wait3A_229 : memref<1x128xi32, #tpu.memory_space<vmem>> -> memref<128xi32, #tpu.memory_space<vmem>>
      %dma_wait3A_231 = arith.constant 0 : i32
      %dma_wait3A_232 = arith.constant 0 : i32
      %dma_wait3A_233 = tpu.memref_slice %arg2[%dma_wait3A_231, %dma_wait3A_232] : memref<20000x128xf32, #tpu.memory_space<hbm>> -> memref<20000x128xf32, #tpu.memory_space<hbm>>
      tpu.wait_indirect_dma semaphore(%arg18 : memref<!tpu.dma_semaphore, #tpu.memory_space<semaphore_mem>>) src(%dma_wait3A_233 : memref<20000x128xf32, #tpu.memory_space<hbm>>) dst(%arg12 : memref<128x128xf32, #tpu.memory_space<vmem>>)
      %add3A_234 = arith.constant 1 : i32
      %add3A_235 = arith.addi %add3A_226, %add3A_234 : i32
      %lt3A_236 = arith.cmpi slt, %add3A_235, %select_n3A_30 : i32
      %convert_element_type3A_237 = arith.extui %lt3A_236 : i1 to i32
      %cond3A_238 = arith.constant 0 : i32
      %cond3A_239 = arith.cmpi ne, %convert_element_type3A_237, %cond3A_238 : i32
      scf.if %cond3A_239 {
        %add3A_250 = arith.constant 1 : i32
        %add3A_251 = arith.addi %add3A_226, %add3A_250 : i32
        %dma_start3A_252 = arith.constant 0 : i32
        %dma_start3A_253 = tpu.memref_slice %arg9[%add3A_251, %dma_start3A_252] : memref<160x128xi32, #tpu.memory_space<vmem>> -> memref<1x128xi32, #tpu.memory_space<vmem>>
        %dma_start3A_254 = tpu.memref_squeeze %dma_start3A_253 : memref<1x128xi32, #tpu.memory_space<vmem>> -> memref<128xi32, #tpu.memory_space<vmem>>
        %dma_start3A_255 = arith.constant 0 : i32
        %dma_start3A_256 = arith.constant 0 : i32
        %dma_start3A_257 = tpu.memref_slice %arg2[%dma_start3A_255, %dma_start3A_256] : memref<20000x128xf32, #tpu.memory_space<hbm>> -> memref<20000x128xf32, #tpu.memory_space<hbm>>
        tpu.enqueue_indirect_dma source(%dma_start3A_257 : memref<20000x128xf32, #tpu.memory_space<hbm>>) target(%arg11 : memref<128x128xf32, #tpu.memory_space<vmem>>) offsets(%dma_start3A_254 : memref<128xi32, #tpu.memory_space<vmem>>) semaphore(%arg17 : memref<!tpu.dma_semaphore, #tpu.memory_space<semaphore_mem>>)
      } else {
      }
      "tpu.region"() ({
        %run_scoped3A = tpu.sem_alloc : memref<!tpu.dma_semaphore, #tpu.memory_space<semaphore_mem>>
        %dma_start3A_250 = arith.constant 0 : i32
        %dma_start3A_251 = tpu.memref_slice %arg10[%add3A_226, %dma_start3A_250] : memref<160x128xi32, #tpu.memory_space<vmem>> -> memref<1x128xi32, #tpu.memory_space<vmem>>
        %dma_start3A_252 = tpu.memref_squeeze %dma_start3A_251 : memref<1x128xi32, #tpu.memory_space<vmem>> -> memref<128xi32, #tpu.memory_space<vmem>>
        %dma_start3A_253 = arith.constant 0 : i32
        %dma_start3A_254 = arith.constant 0 : i32
        %dma_start3A_255 = tpu.memref_slice %arg15[%dma_start3A_253, %dma_start3A_254] : memref<5120x128xf32, #tpu.memory_space<vmem_shared>> -> memref<5120x128xf32, #tpu.memory_space<vmem_shared>>
        tpu.enqueue_indirect_dma source(%arg12 : memref<128x128xf32, #tpu.memory_space<vmem>>) target(%dma_start3A_255 : memref<5120x128xf32, #tpu.memory_space<vmem_shared>>) offsets(%dma_start3A_252 : memref<128xi32, #tpu.memory_space<vmem>>) semaphore(%run_scoped3A : memref<!tpu.dma_semaphore, #tpu.memory_space<semaphore_mem>>) {add = true}
        %dma_wait3A_256 = arith.constant 0 : i32
        %dma_wait3A_257 = tpu.memref_slice %arg10[%add3A_226, %dma_wait3A_256] : memref<160x128xi32, #tpu.memory_space<vmem>> -> memref<1x128xi32, #tpu.memory_space<vmem>>
        %dma_wait3A_258 = tpu.memref_squeeze %dma_wait3A_257 : memref<1x128xi32, #tpu.memory_space<vmem>> -> memref<128xi32, #tpu.memory_space<vmem>>
        %dma_wait3A_259 = arith.constant 0 : i32
        %dma_wait3A_260 = arith.constant 0 : i32
        %dma_wait3A_261 = tpu.memref_slice %arg15[%dma_wait3A_259, %dma_wait3A_260] : memref<5120x128xf32, #tpu.memory_space<vmem_shared>> -> memref<5120x128xf32, #tpu.memory_space<vmem_shared>>
        tpu.wait_indirect_dma semaphore(%run_scoped3A : memref<!tpu.dma_semaphore, #tpu.memory_space<semaphore_mem>>) src(%arg12 : memref<128x128xf32, #tpu.memory_space<vmem>>) dst(%dma_wait3A_261 : memref<5120x128xf32, #tpu.memory_space<vmem_shared>>)
        tpu.yield
      }) : () -> ()
      %ge3A_240 = arith.constant 1 : i32
      %ge3A_241 = arith.cmpi sge, %add3A_226, %ge3A_240 : i32
      %convert_element_type3A_242 = arith.extui %ge3A_241 : i1 to i32
      %cond3A_243 = arith.constant 0 : i32
      %cond3A_244 = arith.cmpi ne, %convert_element_type3A_242, %cond3A_243 : i32
      scf.if %cond3A_244 {
        %dma_wait3A_250 = arith.constant 0 : i32
        %dma_wait3A_251 = arith.constant 0 : i32
        %dma_wait3A_252 = tpu.memref_slice %arg10[%dma_wait3A_250, %dma_wait3A_251] : memref<160x128xi32, #tpu.memory_space<vmem>> -> memref<1x128xi32, #tpu.memory_space<vmem>>
        %dma_wait3A_253 = tpu.memref_squeeze %dma_wait3A_252 : memref<1x128xi32, #tpu.memory_space<vmem>> -> memref<128xi32, #tpu.memory_space<vmem>>
        %dma_wait3A_254 = arith.constant 0 : i32
        %dma_wait3A_255 = tpu.memref_slice %arg16[%dma_wait3A_254] : memref<5120xf32, #tpu.memory_space<vmem_shared>> -> memref<5120xf32, #tpu.memory_space<vmem_shared>>
        tpu.wait_indirect_dma semaphore(%arg21 : memref<!tpu.dma_semaphore, #tpu.memory_space<semaphore_mem>>) src(%arg13 : memref<128xf32, #tpu.memory_space<vmem>>) dst(%dma_wait3A_255 : memref<5120xf32, #tpu.memory_space<vmem_shared>>)
      } else {
      }
      %dma_start3A_245 = arith.constant 0 : i32
      %dma_start3A_246 = tpu.memref_slice %arg10[%add3A_226, %dma_start3A_245] : memref<160x128xi32, #tpu.memory_space<vmem>> -> memref<1x128xi32, #tpu.memory_space<vmem>>
      %dma_start3A_247 = tpu.memref_squeeze %dma_start3A_246 : memref<1x128xi32, #tpu.memory_space<vmem>> -> memref<128xi32, #tpu.memory_space<vmem>>
      %dma_start3A_248 = arith.constant 0 : i32
      %dma_start3A_249 = tpu.memref_slice %arg16[%dma_start3A_248] : memref<5120xf32, #tpu.memory_space<vmem_shared>> -> memref<5120xf32, #tpu.memory_space<vmem_shared>>
      tpu.enqueue_indirect_dma source(%arg13 : memref<128xf32, #tpu.memory_space<vmem>>) target(%dma_start3A_249 : memref<5120xf32, #tpu.memory_space<vmem_shared>>) offsets(%dma_start3A_247 : memref<128xi32, #tpu.memory_space<vmem>>) semaphore(%arg21 : memref<!tpu.dma_semaphore, #tpu.memory_space<semaphore_mem>>) {add = true}
    }
    %dma_wait3A = arith.constant 0 : i32
    %dma_wait3A_68 = arith.constant 0 : i32
    %dma_wait3A_69 = tpu.memref_slice %arg10[%dma_wait3A, %dma_wait3A_68] : memref<160x128xi32, #tpu.memory_space<vmem>> -> memref<1x128xi32, #tpu.memory_space<vmem>>
    %dma_wait3A_70 = tpu.memref_squeeze %dma_wait3A_69 : memref<1x128xi32, #tpu.memory_space<vmem>> -> memref<128xi32, #tpu.memory_space<vmem>>
    %dma_wait3A_71 = arith.constant 0 : i32
    %dma_wait3A_72 = tpu.memref_slice %arg16[%dma_wait3A_71] : memref<5120xf32, #tpu.memory_space<vmem_shared>> -> memref<5120xf32, #tpu.memory_space<vmem_shared>>
    tpu.wait_indirect_dma semaphore(%arg21 : memref<!tpu.dma_semaphore, #tpu.memory_space<semaphore_mem>>) src(%arg13 : memref<128xf32, #tpu.memory_space<vmem>>) dst(%dma_wait3A_72 : memref<5120xf32, #tpu.memory_space<vmem_shared>>)
    %barrier3A_73 = arith.constant 0 : index
    tpu.barrier barrier_id(%barrier3A_73)
    %lt3A_74 = arith.constant 5 : i32
    %lt3A_75 = arith.cmpi slt, %arg1, %lt3A_74 : i32
    %convert_element_type3A_76 = arith.extui %lt3A_75 : i1 to i32
    %cond3A_77 = arith.constant 0 : i32
    %cond3A_78 = arith.cmpi ne, %convert_element_type3A_76, %cond3A_77 : i32
    scf.if %cond3A_78 {
      %mul3A_195 = arith.constant 1000 : i32
      %mul3A_196 = arith.muli %arg1, %mul3A_195 : i32
      "tpu.region"() ({
        %run_scoped3A = tpu.sem_alloc : memref<!tpu.dma_semaphore, #tpu.memory_space<semaphore_mem>>
        %dma_start3A_197 = arith.constant 0 : i32
        %dma_start3A_198 = tpu.memref_slice %arg7[%add3A_34, %mul3A_196, %dma_start3A_197] : memref<4x5000x128xf32, #tpu.memory_space<hbm>> -> memref<1x1000x128xf32, #tpu.memory_space<hbm>>
        %dma_start3A_199 = tpu.memref_squeeze %dma_start3A_198 : memref<1x1000x128xf32, #tpu.memory_space<hbm>> -> memref<1000x128xf32, #tpu.memory_space<hbm>>
        %dma_start3A_200 = arith.constant 0 : i32
        %dma_start3A_201 = tpu.memref_slice %arg15[%mul3A_196, %dma_start3A_200] : memref<5120x128xf32, #tpu.memory_space<vmem_shared>> -> memref<1000x128xf32, #tpu.memory_space<vmem_shared>>
        tpu.enqueue_dma source(%dma_start3A_201 : memref<1000x128xf32, #tpu.memory_space<vmem_shared>>) target(%dma_start3A_199 : memref<1000x128xf32, #tpu.memory_space<hbm>>) target_semaphore(%run_scoped3A : memref<!tpu.dma_semaphore, #tpu.memory_space<semaphore_mem>>)
        %dma_wait3A_202 = arith.constant 0 : i32
        %dma_wait3A_203 = tpu.memref_slice %arg7[%add3A_34, %mul3A_196, %dma_wait3A_202] : memref<4x5000x128xf32, #tpu.memory_space<hbm>> -> memref<1x1000x128xf32, #tpu.memory_space<hbm>>
        %dma_wait3A_204 = tpu.memref_squeeze %dma_wait3A_203 : memref<1x1000x128xf32, #tpu.memory_space<hbm>> -> memref<1000x128xf32, #tpu.memory_space<hbm>>
        %dma_wait3A_205 = arith.constant 0 : i32
        %dma_wait3A_206 = tpu.memref_slice %arg15[%mul3A_196, %dma_wait3A_205] : memref<5120x128xf32, #tpu.memory_space<vmem_shared>> -> memref<1000x128xf32, #tpu.memory_space<vmem_shared>>
        tpu.wait_dma2 semaphore(%run_scoped3A : memref<!tpu.dma_semaphore, #tpu.memory_space<semaphore_mem>>) src(%dma_wait3A_206 : memref<1000x128xf32, #tpu.memory_space<vmem_shared>>) dst(%dma_wait3A_204 : memref<1000x128xf32, #tpu.memory_space<hbm>>)
        tpu.yield
      }) : () -> ()
    } else {
    }
    %ge3A = arith.constant 5 : i32
    %ge3A_79 = arith.cmpi sge, %arg1, %ge3A : i32
    %lt3A_80 = arith.constant 10 : i32
    %lt3A_81 = arith.cmpi slt, %arg1, %lt3A_80 : i32
    %and3A_82 = arith.andi %ge3A_79, %lt3A_81 : i1
    %convert_element_type3A_83 = arith.extui %and3A_82 : i1 to i32
    %cond3A_84 = arith.constant 0 : i32
    %cond3A_85 = arith.cmpi ne, %convert_element_type3A_83, %cond3A_84 : i32
    scf.if %cond3A_85 {
      %sub3A_195 = arith.constant 5 : i32
      %sub3A_196 = arith.subi %arg1, %sub3A_195 : i32
      %mul3A_197 = arith.constant 1000 : i32
      %mul3A_198 = arith.muli %sub3A_196, %mul3A_197 : i32
      "tpu.region"() ({
        %run_scoped3A = tpu.sem_alloc : memref<!tpu.dma_semaphore, #tpu.memory_space<semaphore_mem>>
        %dma_start3A_206 = arith.constant 0 : i32
        %dma_start3A_207 = tpu.memref_slice %arg14[%dma_start3A_206] : memref<1000xf32, #tpu.memory_space<vmem>> -> memref<1000xf32, #tpu.memory_space<vmem>>
        %dma_start3A_208 = tpu.memref_slice %arg16[%mul3A_198] : memref<5120xf32, #tpu.memory_space<vmem_shared>> -> memref<1000xf32, #tpu.memory_space<vmem_shared>>
        %dma_start3A_209 = arith.constant 0 : i32
        %dma_start3A_210 = tpu.memref_slice %arg14[%dma_start3A_209] : memref<1000xf32, #tpu.memory_space<vmem>> -> memref<1000xf32, #tpu.memory_space<vmem>>
        %dma_start3A_211 = tpu.memref_slice %arg16[%mul3A_198] : memref<5120xf32, #tpu.memory_space<vmem_shared>> -> memref<1000xf32, #tpu.memory_space<vmem_shared>>
        tpu.enqueue_dma source(%dma_start3A_211 : memref<1000xf32, #tpu.memory_space<vmem_shared>>) target(%dma_start3A_210 : memref<1000xf32, #tpu.memory_space<vmem>>) target_semaphore(%run_scoped3A : memref<!tpu.dma_semaphore, #tpu.memory_space<semaphore_mem>>)
        %dma_wait3A_212 = arith.constant 0 : i32
        %dma_wait3A_213 = tpu.memref_slice %arg14[%dma_wait3A_212] : memref<1000xf32, #tpu.memory_space<vmem>> -> memref<1000xf32, #tpu.memory_space<vmem>>
        %dma_wait3A_214 = tpu.memref_slice %arg16[%mul3A_198] : memref<5120xf32, #tpu.memory_space<vmem_shared>> -> memref<1000xf32, #tpu.memory_space<vmem_shared>>
        %dma_wait3A_215 = arith.constant 0 : i32
        %dma_wait3A_216 = tpu.memref_slice %arg14[%dma_wait3A_215] : memref<1000xf32, #tpu.memory_space<vmem>> -> memref<1000xf32, #tpu.memory_space<vmem>>
        %dma_wait3A_217 = tpu.memref_slice %arg16[%mul3A_198] : memref<5120xf32, #tpu.memory_space<vmem_shared>> -> memref<1000xf32, #tpu.memory_space<vmem_shared>>
        tpu.wait_dma2 semaphore(%run_scoped3A : memref<!tpu.dma_semaphore, #tpu.memory_space<semaphore_mem>>) src(%dma_wait3A_217 : memref<1000xf32, #tpu.memory_space<vmem_shared>>) dst(%dma_wait3A_216 : memref<1000xf32, #tpu.memory_space<vmem>>)
        tpu.yield
      }) : () -> ()
      %mul3A_199 = arith.constant 5000 : i32
      %mul3A_200 = arith.muli %add3A_34, %mul3A_199 : i32
      %sub3A_201 = arith.constant 5 : i32
      %sub3A_202 = arith.subi %arg1, %sub3A_201 : i32
      %mul3A_203 = arith.constant 1000 : i32
      %mul3A_204 = arith.muli %sub3A_202, %mul3A_203 : i32
      %add3A_205 = arith.addi %mul3A_200, %mul3A_204 : i32
      "tpu.region"() ({
        %run_scoped3A = tpu.sem_alloc : memref<!tpu.dma_semaphore, #tpu.memory_space<semaphore_mem>>
        %dma_start3A_206 = arith.constant 0 : i32
        %dma_start3A_207 = tpu.memref_slice %arg14[%dma_start3A_206] : memref<1000xf32, #tpu.memory_space<vmem>> -> memref<1000xf32, #tpu.memory_space<vmem>>
        %dma_start3A_208 = tpu.memref_slice %arg8[%add3A_205] : memref<20000xf32, #tpu.memory_space<hbm>> -> memref<1000xf32, #tpu.memory_space<hbm>>
        %dma_start3A_209 = tpu.memref_slice %arg8[%add3A_205] : memref<20000xf32, #tpu.memory_space<hbm>> -> memref<1000xf32, #tpu.memory_space<hbm>>
        %dma_start3A_210 = arith.constant 0 : i32
        %dma_start3A_211 = tpu.memref_slice %arg14[%dma_start3A_210] : memref<1000xf32, #tpu.memory_space<vmem>> -> memref<1000xf32, #tpu.memory_space<vmem>>
        tpu.enqueue_dma source(%dma_start3A_211 : memref<1000xf32, #tpu.memory_space<vmem>>) target(%dma_start3A_209 : memref<1000xf32, #tpu.memory_space<hbm>>) target_semaphore(%run_scoped3A : memref<!tpu.dma_semaphore, #tpu.memory_space<semaphore_mem>>)
        %dma_wait3A_212 = arith.constant 0 : i32
        %dma_wait3A_213 = tpu.memref_slice %arg14[%dma_wait3A_212] : memref<1000xf32, #tpu.memory_space<vmem>> -> memref<1000xf32, #tpu.memory_space<vmem>>
        %dma_wait3A_214 = tpu.memref_slice %arg8[%add3A_205] : memref<20000xf32, #tpu.memory_space<hbm>> -> memref<1000xf32, #tpu.memory_space<hbm>>
        %dma_wait3A_215 = tpu.memref_slice %arg8[%add3A_205] : memref<20000xf32, #tpu.memory_space<hbm>> -> memref<1000xf32, #tpu.memory_space<hbm>>
        %dma_wait3A_216 = arith.constant 0 : i32
        %dma_wait3A_217 = tpu.memref_slice %arg14[%dma_wait3A_216] : memref<1000xf32, #tpu.memory_space<vmem>> -> memref<1000xf32, #tpu.memory_space<vmem>>
        tpu.wait_dma2 semaphore(%run_scoped3A : memref<!tpu.dma_semaphore, #tpu.memory_space<semaphore_mem>>) src(%dma_wait3A_217 : memref<1000xf32, #tpu.memory_space<vmem>>) dst(%dma_wait3A_215 : memref<1000xf32, #tpu.memory_space<hbm>>)
        tpu.yield
      }) : () -> ()
    } else {
    }
    %barrier3A_86 = arith.constant 0 : index
    tpu.barrier barrier_id(%barrier3A_86)
    %lt3A_87 = arith.constant 8 : i32
    %lt3A_88 = arith.cmpi slt, %arg1, %lt3A_87 : i32
    %convert_element_type3A_89 = arith.extui %lt3A_88 : i1 to i32
    %cond3A_90 = arith.constant 0 : i32
    %cond3A_91 = arith.cmpi ne, %convert_element_type3A_89, %cond3A_90 : i32
    scf.if %cond3A_91 {
      %mul3A_195 = arith.constant 640 : i32
      %mul3A_196 = arith.muli %arg1, %mul3A_195 : i32
      "tpu.region"() ({
        %run_scoped3A = tpu.sem_alloc : memref<!tpu.dma_semaphore, #tpu.memory_space<semaphore_mem>>
        %dma_start3A_197 = arith.constant 0 : i32
        %dma_start3A_198 = tpu.memref_slice %arg15[%mul3A_196, %dma_start3A_197] : memref<5120x128xf32, #tpu.memory_space<vmem_shared>> -> memref<640x128xf32, #tpu.memory_space<vmem_shared>>
        tpu.enqueue_dma source(%arg5 : memref<640x128xf32, #tpu.memory_space<hbm>>) target(%dma_start3A_198 : memref<640x128xf32, #tpu.memory_space<vmem_shared>>) target_semaphore(%run_scoped3A : memref<!tpu.dma_semaphore, #tpu.memory_space<semaphore_mem>>)
        %dma_wait3A_199 = arith.constant 0 : i32
        %dma_wait3A_200 = tpu.memref_slice %arg15[%mul3A_196, %dma_wait3A_199] : memref<5120x128xf32, #tpu.memory_space<vmem_shared>> -> memref<640x128xf32, #tpu.memory_space<vmem_shared>>
        tpu.wait_dma2 semaphore(%run_scoped3A : memref<!tpu.dma_semaphore, #tpu.memory_space<semaphore_mem>>) src(%arg5 : memref<640x128xf32, #tpu.memory_space<hbm>>) dst(%dma_wait3A_200 : memref<640x128xf32, #tpu.memory_space<vmem_shared>>)
        tpu.yield
      }) : () -> ()
    } else {
    }
    %scan3A_92 = arith.constant 0 : i32
    %scan3A_93 = arith.constant 0 : i32
    %scan3A_94 = arith.constant 20 : i32
    %scan3A_95 = arith.addi %scan3A_93, %scan3A_94 : i32
    %scan3A_96 = arith.constant 1 : i32
    scf.for %scan3A_195 = %scan3A_93 to %scan3A_95 step %scan3A_96  : i32 {
      %broadcast_in_dim3A = arith.constant 0.000000e+00 : f32
      %broadcast_in_dim3A_196 = vector.broadcast %broadcast_in_dim3A : f32 to vector<16xf32>
      %mul3A_197 = arith.constant 16 : i32
      %mul3A_198 = arith.muli %scan3A_195, %mul3A_197 : i32
      %swap3A = arith.index_cast %mul3A_198 : i32 to index
      %swap3A_199 = tpu.vector_load %arg14[%swap3A] {strides = array<i32>} : memref<1000xf32, #tpu.memory_space<vmem>>, vector<16xf32>,
      %swap3A_200 = vector.shape_cast %swap3A_199 : vector<16xf32> to vector<16xf32>
      %swap3A_201 = vector.shape_cast %broadcast_in_dim3A_196 : vector<16xf32> to vector<16xf32>
      tpu.vector_store %arg14[%swap3A], %swap3A_201 {strides = array<i32>} : memref<1000xf32, #tpu.memory_space<vmem>>, vector<16xf32>,
    }
    %scan3A_97 = arith.constant 20 : i32
    %mul3A_98 = arith.constant 320 : i32
    %mul3A_99 = arith.muli %arg1, %mul3A_98 : i32
    "tpu.region"() ({
      %run_scoped3A = tpu.sem_alloc : memref<!tpu.dma_semaphore, #tpu.memory_space<semaphore_mem>>
      %dma_start3A_195 = arith.constant 0 : i32
      %dma_start3A_196 = tpu.memref_slice %arg14[%dma_start3A_195] : memref<1000xf32, #tpu.memory_space<vmem>> -> memref<320xf32, #tpu.memory_space<vmem>>
      %dma_start3A_197 = tpu.memref_slice %arg16[%mul3A_99] : memref<5120xf32, #tpu.memory_space<vmem_shared>> -> memref<320xf32, #tpu.memory_space<vmem_shared>>
      %dma_start3A_198 = tpu.memref_slice %arg16[%mul3A_99] : memref<5120xf32, #tpu.memory_space<vmem_shared>> -> memref<320xf32, #tpu.memory_space<vmem_shared>>
      %dma_start3A_199 = arith.constant 0 : i32
      %dma_start3A_200 = tpu.memref_slice %arg14[%dma_start3A_199] : memref<1000xf32, #tpu.memory_space<vmem>> -> memref<320xf32, #tpu.memory_space<vmem>>
      tpu.enqueue_dma source(%dma_start3A_200 : memref<320xf32, #tpu.memory_space<vmem>>) target(%dma_start3A_198 : memref<320xf32, #tpu.memory_space<vmem_shared>>) target_semaphore(%run_scoped3A : memref<!tpu.dma_semaphore, #tpu.memory_space<semaphore_mem>>)
      %dma_wait3A_201 = arith.constant 0 : i32
      %dma_wait3A_202 = tpu.memref_slice %arg14[%dma_wait3A_201] : memref<1000xf32, #tpu.memory_space<vmem>> -> memref<320xf32, #tpu.memory_space<vmem>>
      %dma_wait3A_203 = tpu.memref_slice %arg16[%mul3A_99] : memref<5120xf32, #tpu.memory_space<vmem_shared>> -> memref<320xf32, #tpu.memory_space<vmem_shared>>
      %dma_wait3A_204 = tpu.memref_slice %arg16[%mul3A_99] : memref<5120xf32, #tpu.memory_space<vmem_shared>> -> memref<320xf32, #tpu.memory_space<vmem_shared>>
      %dma_wait3A_205 = arith.constant 0 : i32
      %dma_wait3A_206 = tpu.memref_slice %arg14[%dma_wait3A_205] : memref<1000xf32, #tpu.memory_space<vmem>> -> memref<320xf32, #tpu.memory_space<vmem>>
      tpu.wait_dma2 semaphore(%run_scoped3A : memref<!tpu.dma_semaphore, #tpu.memory_space<semaphore_mem>>) src(%dma_wait3A_206 : memref<320xf32, #tpu.memory_space<vmem>>) dst(%dma_wait3A_204 : memref<320xf32, #tpu.memory_space<vmem_shared>>)
      tpu.yield
    }) : () -> ()
    %mul3A_100 = arith.constant 2560 : i32
    %mul3A_101 = arith.muli %arg0, %mul3A_100 : i32
    %mul3A_102 = arith.constant 160 : i32
    %mul3A_103 = arith.muli %arg1, %mul3A_102 : i32
    %add3A_104 = arith.addi %mul3A_101, %mul3A_103 : i32
    %mul3A_105 = arith.constant 1280 : i32
    %mul3A_106 = arith.muli %arg0, %mul3A_105 : i32
    %add3A_107 = arith.constant 2560 : i32
    %add3A_108 = arith.addi %add3A_107, %mul3A_106 : i32
    %mul3A_109 = arith.constant 80 : i32
    %mul3A_110 = arith.muli %arg1, %mul3A_109 : i32
    %add3A_111 = arith.addi %add3A_108, %mul3A_110 : i32
    %eq3A_112 = arith.constant 1 : i32
    %eq3A_113 = arith.constant 0 : i32
    %eq3A_114 = arith.cmpi eq, %eq3A_112, %eq3A_113 : i32
    %select_n3A_115 = arith.select %eq3A_114, %add3A_104, %add3A_111 : i32
    %multiple_of3A_116 = tpu.assume_multiple %select_n3A_115, 8 : i32
    %mul3A_117 = arith.constant 1 : i32
    %mul3A_118 = arith.constant 5280 : i32
    %mul3A_119 = arith.muli %mul3A_117, %mul3A_118 : i32
    %add3A_120 = arith.addi %mul3A_119, %multiple_of3A_116 : i32
    %multiple_of3A_121 = tpu.assume_multiple %add3A_120, 8 : i32
    %eq3A_122 = arith.constant 1 : i32
    %eq3A_123 = arith.constant 0 : i32
    %eq3A_124 = arith.cmpi eq, %eq3A_122, %eq3A_123 : i32
    %jit3A_125 = arith.constant 160 : i32
    %jit3A_126 = arith.constant 80 : i32
    %select_n3A_127 = arith.select %eq3A_124, %jit3A_125, %jit3A_126 : i32
    %mul3A_128 = arith.constant 2 : i32
    %mul3A_129 = arith.constant 1 : i32
    %mul3A_130 = arith.muli %mul3A_128, %mul3A_129 : i32
    %add3A_131 = arith.addi %mul3A_130, %arg0 : i32
    "tpu.region"() ({
      %run_scoped3A = tpu.sem_alloc : memref<!tpu.dma_semaphore, #tpu.memory_space<semaphore_mem>>
      %dma_start3A_195 = arith.constant 0 : i32
      %dma_start3A_196 = tpu.memref_slice %arg3[%multiple_of3A_116, %dma_start3A_195] : memref<5280x128xi32, #tpu.memory_space<hbm>> -> memref<160x128xi32, #tpu.memory_space<hbm>>
      %dma_start3A_197 = arith.constant 0 : i32
      %dma_start3A_198 = tpu.memref_slice %arg3[%multiple_of3A_116, %dma_start3A_197] : memref<5280x128xi32, #tpu.memory_space<hbm>> -> memref<160x128xi32, #tpu.memory_space<hbm>>
      tpu.enqueue_dma source(%dma_start3A_198 : memref<160x128xi32, #tpu.memory_space<hbm>>) target(%arg9 : memref<160x128xi32, #tpu.memory_space<vmem>>) target_semaphore(%run_scoped3A : memref<!tpu.dma_semaphore, #tpu.memory_space<semaphore_mem>>)
      %dma_wait3A_199 = arith.constant 0 : i32
      %dma_wait3A_200 = tpu.memref_slice %arg3[%multiple_of3A_116, %dma_wait3A_199] : memref<5280x128xi32, #tpu.memory_space<hbm>> -> memref<160x128xi32, #tpu.memory_space<hbm>>
      %dma_wait3A_201 = arith.constant 0 : i32
      %dma_wait3A_202 = tpu.memref_slice %arg3[%multiple_of3A_116, %dma_wait3A_201] : memref<5280x128xi32, #tpu.memory_space<hbm>> -> memref<160x128xi32, #tpu.memory_space<hbm>>
      tpu.wait_dma2 semaphore(%run_scoped3A : memref<!tpu.dma_semaphore, #tpu.memory_space<semaphore_mem>>) src(%dma_wait3A_202 : memref<160x128xi32, #tpu.memory_space<hbm>>) dst(%arg9 : memref<160x128xi32, #tpu.memory_space<vmem>>)
      tpu.yield
    }) : () -> ()
    "tpu.region"() ({
      %run_scoped3A = tpu.sem_alloc : memref<!tpu.dma_semaphore, #tpu.memory_space<semaphore_mem>>
      %dma_start3A_195 = arith.constant 0 : i32
      %dma_start3A_196 = tpu.memref_slice %arg4[%multiple_of3A_121, %dma_start3A_195] : memref<10560x128xi32, #tpu.memory_space<hbm>> -> memref<160x128xi32, #tpu.memory_space<hbm>>
      %dma_start3A_197 = arith.constant 0 : i32
      %dma_start3A_198 = tpu.memref_slice %arg4[%multiple_of3A_121, %dma_start3A_197] : memref<10560x128xi32, #tpu.memory_space<hbm>> -> memref<160x128xi32, #tpu.memory_space<hbm>>
      tpu.enqueue_dma source(%dma_start3A_198 : memref<160x128xi32, #tpu.memory_space<hbm>>) target(%arg10 : memref<160x128xi32, #tpu.memory_space<vmem>>) target_semaphore(%run_scoped3A : memref<!tpu.dma_semaphore, #tpu.memory_space<semaphore_mem>>)
      %dma_wait3A_199 = arith.constant 0 : i32
      %dma_wait3A_200 = tpu.memref_slice %arg4[%multiple_of3A_121, %dma_wait3A_199] : memref<10560x128xi32, #tpu.memory_space<hbm>> -> memref<160x128xi32, #tpu.memory_space<hbm>>
      %dma_wait3A_201 = arith.constant 0 : i32
      %dma_wait3A_202 = tpu.memref_slice %arg4[%multiple_of3A_121, %dma_wait3A_201] : memref<10560x128xi32, #tpu.memory_space<hbm>> -> memref<160x128xi32, #tpu.memory_space<hbm>>
      tpu.wait_dma2 semaphore(%run_scoped3A : memref<!tpu.dma_semaphore, #tpu.memory_space<semaphore_mem>>) src(%dma_wait3A_202 : memref<160x128xi32, #tpu.memory_space<hbm>>) dst(%arg10 : memref<160x128xi32, #tpu.memory_space<vmem>>)
      tpu.yield
    }) : () -> ()
    %barrier3A_132 = arith.constant 0 : index
    tpu.barrier barrier_id(%barrier3A_132)
    %dma_start3A_133 = arith.constant 0 : i32
    %dma_start3A_134 = arith.constant 0 : i32
    %dma_start3A_135 = tpu.memref_slice %arg9[%dma_start3A_133, %dma_start3A_134] : memref<160x128xi32, #tpu.memory_space<vmem>> -> memref<1x128xi32, #tpu.memory_space<vmem>>
    %dma_start3A_136 = tpu.memref_squeeze %dma_start3A_135 : memref<1x128xi32, #tpu.memory_space<vmem>> -> memref<128xi32, #tpu.memory_space<vmem>>
    %dma_start3A_137 = arith.constant 0 : i32
    %dma_start3A_138 = arith.constant 0 : i32
    %dma_start3A_139 = tpu.memref_slice %arg2[%dma_start3A_137, %dma_start3A_138] : memref<20000x128xf32, #tpu.memory_space<hbm>> -> memref<20000x128xf32, #tpu.memory_space<hbm>>
    tpu.enqueue_indirect_dma source(%dma_start3A_139 : memref<20000x128xf32, #tpu.memory_space<hbm>>) target(%arg11 : memref<128x128xf32, #tpu.memory_space<vmem>>) offsets(%dma_start3A_136 : memref<128xi32, #tpu.memory_space<vmem>>) semaphore(%arg17 : memref<!tpu.dma_semaphore, #tpu.memory_space<semaphore_mem>>)
    %jit3A_140 = arith.constant 2 : i32
    %div3A_141 = arith.divsi %select_n3A_127, %jit3A_140 : i32
    %sign3A_142 = arith.constant 0 : i32
    %sign3A_143 = arith.cmpi sgt, %select_n3A_127, %sign3A_142 : i32
    %sign3A_144 = arith.extui %sign3A_143 : i1 to i32
    %sign3A_145 = arith.constant 0 : i32
    %sign3A_146 = arith.cmpi slt, %select_n3A_127, %sign3A_145 : i32
    %sign3A_147 = arith.extui %sign3A_146 : i1 to i32
    %sign3A_148 = arith.subi %sign3A_144, %sign3A_147 : i32
    %sign3A_149 = arith.constant 0 : i32
    %sign3A_150 = arith.cmpi sgt, %jit3A_140, %sign3A_149 : i32
    %sign3A_151 = arith.extui %sign3A_150 : i1 to i32
    %sign3A_152 = arith.constant 0 : i32
    %sign3A_153 = arith.cmpi slt, %jit3A_140, %sign3A_152 : i32
    %sign3A_154 = arith.extui %sign3A_153 : i1 to i32
    %sign3A_155 = arith.subi %sign3A_151, %sign3A_154 : i32
    %ne3A_156 = arith.cmpi ne, %sign3A_148, %sign3A_155 : i32
    %rem3A_157 = arith.remsi %select_n3A_127, %jit3A_140 : i32
    %ne3A_158 = arith.constant 0 : i32
    %ne3A_159 = arith.cmpi ne, %rem3A_157, %ne3A_158 : i32
    %and3A_160 = arith.andi %ne3A_156, %ne3A_159 : i1
    %sub3A_161 = arith.constant 1 : i32
    %sub3A_162 = arith.subi %div3A_141, %sub3A_161 : i32
    %select_n3A_163 = arith.select %and3A_160, %sub3A_162, %div3A_141 : i32
    %while3A_164 = arith.constant 0 : i32
    %while3A_165 = arith.constant 0 : i32
    %while3A_166 = arith.subi %select_n3A_163, %while3A_165 : i32
    %while3A_167 = arith.addi %while3A_165, %while3A_166 : i32
    %while3A_168 = arith.constant 1 : i32
    %while3A_169 = arith.divsi %while3A_166, %while3A_168 : i32
    %while3A_170 = arith.muli %while3A_169, %while3A_168 : i32
    %while3A_171 = arith.addi %while3A_165, %while3A_170 : i32
    %while3A_172 = arith.constant 1 : i32
    scf.for %while3A_195 = %while3A_165 to %while3A_171 step %while3A_172  : i32 {
      %mul3A_196 = arith.constant 2 : i32
      %mul3A_197 = arith.muli %mul3A_196, %while3A_195 : i32
      %add3A_198 = arith.constant 0 : i32
      %add3A_199 = arith.addi %mul3A_197, %add3A_198 : i32
      %dma_wait3A_200 = arith.constant 0 : i32
      %dma_wait3A_201 = arith.constant 0 : i32
      %dma_wait3A_202 = tpu.memref_slice %arg9[%dma_wait3A_200, %dma_wait3A_201] : memref<160x128xi32, #tpu.memory_space<vmem>> -> memref<1x128xi32, #tpu.memory_space<vmem>>
      %dma_wait3A_203 = tpu.memref_squeeze %dma_wait3A_202 : memref<1x128xi32, #tpu.memory_space<vmem>> -> memref<128xi32, #tpu.memory_space<vmem>>
      %dma_wait3A_204 = arith.constant 0 : i32
      %dma_wait3A_205 = arith.constant 0 : i32
      %dma_wait3A_206 = tpu.memref_slice %arg2[%dma_wait3A_204, %dma_wait3A_205] : memref<20000x128xf32, #tpu.memory_space<hbm>> -> memref<20000x128xf32, #tpu.memory_space<hbm>>
      tpu.wait_indirect_dma semaphore(%arg17 : memref<!tpu.dma_semaphore, #tpu.memory_space<semaphore_mem>>) src(%dma_wait3A_206 : memref<20000x128xf32, #tpu.memory_space<hbm>>) dst(%arg11 : memref<128x128xf32, #tpu.memory_space<vmem>>)
      %add3A_207 = arith.constant 1 : i32
      %add3A_208 = arith.addi %add3A_199, %add3A_207 : i32
      %lt3A_209 = arith.cmpi slt, %add3A_208, %select_n3A_127 : i32
      %convert_element_type3A_210 = arith.extui %lt3A_209 : i1 to i32
      %cond3A_211 = arith.constant 0 : i32
      %cond3A_212 = arith.cmpi ne, %convert_element_type3A_210, %cond3A_211 : i32
      scf.if %cond3A_212 {
        %add3A_250 = arith.constant 1 : i32
        %add3A_251 = arith.addi %add3A_199, %add3A_250 : i32
        %dma_start3A_252 = arith.constant 0 : i32
        %dma_start3A_253 = tpu.memref_slice %arg9[%add3A_251, %dma_start3A_252] : memref<160x128xi32, #tpu.memory_space<vmem>> -> memref<1x128xi32, #tpu.memory_space<vmem>>
        %dma_start3A_254 = tpu.memref_squeeze %dma_start3A_253 : memref<1x128xi32, #tpu.memory_space<vmem>> -> memref<128xi32, #tpu.memory_space<vmem>>
        %dma_start3A_255 = arith.constant 0 : i32
        %dma_start3A_256 = arith.constant 0 : i32
        %dma_start3A_257 = tpu.memref_slice %arg2[%dma_start3A_255, %dma_start3A_256] : memref<20000x128xf32, #tpu.memory_space<hbm>> -> memref<20000x128xf32, #tpu.memory_space<hbm>>
        tpu.enqueue_indirect_dma source(%dma_start3A_257 : memref<20000x128xf32, #tpu.memory_space<hbm>>) target(%arg12 : memref<128x128xf32, #tpu.memory_space<vmem>>) offsets(%dma_start3A_254 : memref<128xi32, #tpu.memory_space<vmem>>) semaphore(%arg18 : memref<!tpu.dma_semaphore, #tpu.memory_space<semaphore_mem>>)
      } else {
      }
      "tpu.region"() ({
        %run_scoped3A = tpu.sem_alloc : memref<!tpu.dma_semaphore, #tpu.memory_space<semaphore_mem>>
        %dma_start3A_250 = arith.constant 0 : i32
        %dma_start3A_251 = tpu.memref_slice %arg10[%add3A_199, %dma_start3A_250] : memref<160x128xi32, #tpu.memory_space<vmem>> -> memref<1x128xi32, #tpu.memory_space<vmem>>
        %dma_start3A_252 = tpu.memref_squeeze %dma_start3A_251 : memref<1x128xi32, #tpu.memory_space<vmem>> -> memref<128xi32, #tpu.memory_space<vmem>>
        %dma_start3A_253 = arith.constant 0 : i32
        %dma_start3A_254 = arith.constant 0 : i32
        %dma_start3A_255 = tpu.memref_slice %arg15[%dma_start3A_253, %dma_start3A_254] : memref<5120x128xf32, #tpu.memory_space<vmem_shared>> -> memref<5120x128xf32, #tpu.memory_space<vmem_shared>>
        tpu.enqueue_indirect_dma source(%arg11 : memref<128x128xf32, #tpu.memory_space<vmem>>) target(%dma_start3A_255 : memref<5120x128xf32, #tpu.memory_space<vmem_shared>>) offsets(%dma_start3A_252 : memref<128xi32, #tpu.memory_space<vmem>>) semaphore(%run_scoped3A : memref<!tpu.dma_semaphore, #tpu.memory_space<semaphore_mem>>) {add = true}
        %dma_wait3A_256 = arith.constant 0 : i32
        %dma_wait3A_257 = tpu.memref_slice %arg10[%add3A_199, %dma_wait3A_256] : memref<160x128xi32, #tpu.memory_space<vmem>> -> memref<1x128xi32, #tpu.memory_space<vmem>>
        %dma_wait3A_258 = tpu.memref_squeeze %dma_wait3A_257 : memref<1x128xi32, #tpu.memory_space<vmem>> -> memref<128xi32, #tpu.memory_space<vmem>>
        %dma_wait3A_259 = arith.constant 0 : i32
        %dma_wait3A_260 = arith.constant 0 : i32
        %dma_wait3A_261 = tpu.memref_slice %arg15[%dma_wait3A_259, %dma_wait3A_260] : memref<5120x128xf32, #tpu.memory_space<vmem_shared>> -> memref<5120x128xf32, #tpu.memory_space<vmem_shared>>
        tpu.wait_indirect_dma semaphore(%run_scoped3A : memref<!tpu.dma_semaphore, #tpu.memory_space<semaphore_mem>>) src(%arg11 : memref<128x128xf32, #tpu.memory_space<vmem>>) dst(%dma_wait3A_261 : memref<5120x128xf32, #tpu.memory_space<vmem_shared>>)
        tpu.yield
      }) : () -> ()
      %ge3A_213 = arith.constant 1 : i32
      %ge3A_214 = arith.cmpi sge, %add3A_199, %ge3A_213 : i32
      %convert_element_type3A_215 = arith.extui %ge3A_214 : i1 to i32
      %cond3A_216 = arith.constant 0 : i32
      %cond3A_217 = arith.cmpi ne, %convert_element_type3A_215, %cond3A_216 : i32
      scf.if %cond3A_217 {
        %dma_wait3A_250 = arith.constant 0 : i32
        %dma_wait3A_251 = arith.constant 0 : i32
        %dma_wait3A_252 = tpu.memref_slice %arg10[%dma_wait3A_250, %dma_wait3A_251] : memref<160x128xi32, #tpu.memory_space<vmem>> -> memref<1x128xi32, #tpu.memory_space<vmem>>
        %dma_wait3A_253 = tpu.memref_squeeze %dma_wait3A_252 : memref<1x128xi32, #tpu.memory_space<vmem>> -> memref<128xi32, #tpu.memory_space<vmem>>
        %dma_wait3A_254 = arith.constant 0 : i32
        %dma_wait3A_255 = tpu.memref_slice %arg16[%dma_wait3A_254] : memref<5120xf32, #tpu.memory_space<vmem_shared>> -> memref<5120xf32, #tpu.memory_space<vmem_shared>>
        tpu.wait_indirect_dma semaphore(%arg21 : memref<!tpu.dma_semaphore, #tpu.memory_space<semaphore_mem>>) src(%arg13 : memref<128xf32, #tpu.memory_space<vmem>>) dst(%dma_wait3A_255 : memref<5120xf32, #tpu.memory_space<vmem_shared>>)
      } else {
      }
      %dma_start3A_218 = arith.constant 0 : i32
      %dma_start3A_219 = tpu.memref_slice %arg10[%add3A_199, %dma_start3A_218] : memref<160x128xi32, #tpu.memory_space<vmem>> -> memref<1x128xi32, #tpu.memory_space<vmem>>
      %dma_start3A_220 = tpu.memref_squeeze %dma_start3A_219 : memref<1x128xi32, #tpu.memory_space<vmem>> -> memref<128xi32, #tpu.memory_space<vmem>>
      %dma_start3A_221 = arith.constant 0 : i32
      %dma_start3A_222 = tpu.memref_slice %arg16[%dma_start3A_221] : memref<5120xf32, #tpu.memory_space<vmem_shared>> -> memref<5120xf32, #tpu.memory_space<vmem_shared>>
      tpu.enqueue_indirect_dma source(%arg13 : memref<128xf32, #tpu.memory_space<vmem>>) target(%dma_start3A_222 : memref<5120xf32, #tpu.memory_space<vmem_shared>>) offsets(%dma_start3A_220 : memref<128xi32, #tpu.memory_space<vmem>>) semaphore(%arg21 : memref<!tpu.dma_semaphore, #tpu.memory_space<semaphore_mem>>) {add = true}
      %mul3A_223 = arith.constant 2 : i32
      %mul3A_224 = arith.muli %mul3A_223, %while3A_195 : i32
      %add3A_225 = arith.constant 1 : i32
      %add3A_226 = arith.addi %mul3A_224, %add3A_225 : i32
      %dma_wait3A_227 = arith.constant 0 : i32
      %dma_wait3A_228 = arith.constant 0 : i32
      %dma_wait3A_229 = tpu.memref_slice %arg9[%dma_wait3A_227, %dma_wait3A_228] : memref<160x128xi32, #tpu.memory_space<vmem>> -> memref<1x128xi32, #tpu.memory_space<vmem>>
      %dma_wait3A_230 = tpu.memref_squeeze %dma_wait3A_229 : memref<1x128xi32, #tpu.memory_space<vmem>> -> memref<128xi32, #tpu.memory_space<vmem>>
      %dma_wait3A_231 = arith.constant 0 : i32
      %dma_wait3A_232 = arith.constant 0 : i32
      %dma_wait3A_233 = tpu.memref_slice %arg2[%dma_wait3A_231, %dma_wait3A_232] : memref<20000x128xf32, #tpu.memory_space<hbm>> -> memref<20000x128xf32, #tpu.memory_space<hbm>>
      tpu.wait_indirect_dma semaphore(%arg18 : memref<!tpu.dma_semaphore, #tpu.memory_space<semaphore_mem>>) src(%dma_wait3A_233 : memref<20000x128xf32, #tpu.memory_space<hbm>>) dst(%arg12 : memref<128x128xf32, #tpu.memory_space<vmem>>)
      %add3A_234 = arith.constant 1 : i32
      %add3A_235 = arith.addi %add3A_226, %add3A_234 : i32
      %lt3A_236 = arith.cmpi slt, %add3A_235, %select_n3A_127 : i32
      %convert_element_type3A_237 = arith.extui %lt3A_236 : i1 to i32
      %cond3A_238 = arith.constant 0 : i32
      %cond3A_239 = arith.cmpi ne, %convert_element_type3A_237, %cond3A_238 : i32
      scf.if %cond3A_239 {
        %add3A_250 = arith.constant 1 : i32
        %add3A_251 = arith.addi %add3A_226, %add3A_250 : i32
        %dma_start3A_252 = arith.constant 0 : i32
        %dma_start3A_253 = tpu.memref_slice %arg9[%add3A_251, %dma_start3A_252] : memref<160x128xi32, #tpu.memory_space<vmem>> -> memref<1x128xi32, #tpu.memory_space<vmem>>
        %dma_start3A_254 = tpu.memref_squeeze %dma_start3A_253 : memref<1x128xi32, #tpu.memory_space<vmem>> -> memref<128xi32, #tpu.memory_space<vmem>>
        %dma_start3A_255 = arith.constant 0 : i32
        %dma_start3A_256 = arith.constant 0 : i32
        %dma_start3A_257 = tpu.memref_slice %arg2[%dma_start3A_255, %dma_start3A_256] : memref<20000x128xf32, #tpu.memory_space<hbm>> -> memref<20000x128xf32, #tpu.memory_space<hbm>>
        tpu.enqueue_indirect_dma source(%dma_start3A_257 : memref<20000x128xf32, #tpu.memory_space<hbm>>) target(%arg11 : memref<128x128xf32, #tpu.memory_space<vmem>>) offsets(%dma_start3A_254 : memref<128xi32, #tpu.memory_space<vmem>>) semaphore(%arg17 : memref<!tpu.dma_semaphore, #tpu.memory_space<semaphore_mem>>)
      } else {
      }
      "tpu.region"() ({
        %run_scoped3A = tpu.sem_alloc : memref<!tpu.dma_semaphore, #tpu.memory_space<semaphore_mem>>
        %dma_start3A_250 = arith.constant 0 : i32
        %dma_start3A_251 = tpu.memref_slice %arg10[%add3A_226, %dma_start3A_250] : memref<160x128xi32, #tpu.memory_space<vmem>> -> memref<1x128xi32, #tpu.memory_space<vmem>>
        %dma_start3A_252 = tpu.memref_squeeze %dma_start3A_251 : memref<1x128xi32, #tpu.memory_space<vmem>> -> memref<128xi32, #tpu.memory_space<vmem>>
        %dma_start3A_253 = arith.constant 0 : i32
        %dma_start3A_254 = arith.constant 0 : i32
        %dma_start3A_255 = tpu.memref_slice %arg15[%dma_start3A_253, %dma_start3A_254] : memref<5120x128xf32, #tpu.memory_space<vmem_shared>> -> memref<5120x128xf32, #tpu.memory_space<vmem_shared>>
        tpu.enqueue_indirect_dma source(%arg12 : memref<128x128xf32, #tpu.memory_space<vmem>>) target(%dma_start3A_255 : memref<5120x128xf32, #tpu.memory_space<vmem_shared>>) offsets(%dma_start3A_252 : memref<128xi32, #tpu.memory_space<vmem>>) semaphore(%run_scoped3A : memref<!tpu.dma_semaphore, #tpu.memory_space<semaphore_mem>>) {add = true}
        %dma_wait3A_256 = arith.constant 0 : i32
        %dma_wait3A_257 = tpu.memref_slice %arg10[%add3A_226, %dma_wait3A_256] : memref<160x128xi32, #tpu.memory_space<vmem>> -> memref<1x128xi32, #tpu.memory_space<vmem>>
        %dma_wait3A_258 = tpu.memref_squeeze %dma_wait3A_257 : memref<1x128xi32, #tpu.memory_space<vmem>> -> memref<128xi32, #tpu.memory_space<vmem>>
        %dma_wait3A_259 = arith.constant 0 : i32
        %dma_wait3A_260 = arith.constant 0 : i32
        %dma_wait3A_261 = tpu.memref_slice %arg15[%dma_wait3A_259, %dma_wait3A_260] : memref<5120x128xf32, #tpu.memory_space<vmem_shared>> -> memref<5120x128xf32, #tpu.memory_space<vmem_shared>>
        tpu.wait_indirect_dma semaphore(%run_scoped3A : memref<!tpu.dma_semaphore, #tpu.memory_space<semaphore_mem>>) src(%arg12 : memref<128x128xf32, #tpu.memory_space<vmem>>) dst(%dma_wait3A_261 : memref<5120x128xf32, #tpu.memory_space<vmem_shared>>)
        tpu.yield
      }) : () -> ()
      %ge3A_240 = arith.constant 1 : i32
      %ge3A_241 = arith.cmpi sge, %add3A_226, %ge3A_240 : i32
      %convert_element_type3A_242 = arith.extui %ge3A_241 : i1 to i32
      %cond3A_243 = arith.constant 0 : i32
      %cond3A_244 = arith.cmpi ne, %convert_element_type3A_242, %cond3A_243 : i32
      scf.if %cond3A_244 {
        %dma_wait3A_250 = arith.constant 0 : i32
        %dma_wait3A_251 = arith.constant 0 : i32
        %dma_wait3A_252 = tpu.memref_slice %arg10[%dma_wait3A_250, %dma_wait3A_251] : memref<160x128xi32, #tpu.memory_space<vmem>> -> memref<1x128xi32, #tpu.memory_space<vmem>>
        %dma_wait3A_253 = tpu.memref_squeeze %dma_wait3A_252 : memref<1x128xi32, #tpu.memory_space<vmem>> -> memref<128xi32, #tpu.memory_space<vmem>>
        %dma_wait3A_254 = arith.constant 0 : i32
        %dma_wait3A_255 = tpu.memref_slice %arg16[%dma_wait3A_254] : memref<5120xf32, #tpu.memory_space<vmem_shared>> -> memref<5120xf32, #tpu.memory_space<vmem_shared>>
        tpu.wait_indirect_dma semaphore(%arg21 : memref<!tpu.dma_semaphore, #tpu.memory_space<semaphore_mem>>) src(%arg13 : memref<128xf32, #tpu.memory_space<vmem>>) dst(%dma_wait3A_255 : memref<5120xf32, #tpu.memory_space<vmem_shared>>)
      } else {
      }
      %dma_start3A_245 = arith.constant 0 : i32
      %dma_start3A_246 = tpu.memref_slice %arg10[%add3A_226, %dma_start3A_245] : memref<160x128xi32, #tpu.memory_space<vmem>> -> memref<1x128xi32, #tpu.memory_space<vmem>>
      %dma_start3A_247 = tpu.memref_squeeze %dma_start3A_246 : memref<1x128xi32, #tpu.memory_space<vmem>> -> memref<128xi32, #tpu.memory_space<vmem>>
      %dma_start3A_248 = arith.constant 0 : i32
      %dma_start3A_249 = tpu.memref_slice %arg16[%dma_start3A_248] : memref<5120xf32, #tpu.memory_space<vmem_shared>> -> memref<5120xf32, #tpu.memory_space<vmem_shared>>
      tpu.enqueue_indirect_dma source(%arg13 : memref<128xf32, #tpu.memory_space<vmem>>) target(%dma_start3A_249 : memref<5120xf32, #tpu.memory_space<vmem_shared>>) offsets(%dma_start3A_247 : memref<128xi32, #tpu.memory_space<vmem>>) semaphore(%arg21 : memref<!tpu.dma_semaphore, #tpu.memory_space<semaphore_mem>>) {add = true}
    }
    %while3A_173 = arith.constant 1 : i32
    scf.for %while3A_195 = %while3A_171 to %while3A_167 step %while3A_173  : i32 {
      %mul3A_196 = arith.constant 2 : i32
      %mul3A_197 = arith.muli %mul3A_196, %while3A_195 : i32
      %add3A_198 = arith.constant 0 : i32
      %add3A_199 = arith.addi %mul3A_197, %add3A_198 : i32
      %dma_wait3A_200 = arith.constant 0 : i32
      %dma_wait3A_201 = arith.constant 0 : i32
      %dma_wait3A_202 = tpu.memref_slice %arg9[%dma_wait3A_200, %dma_wait3A_201] : memref<160x128xi32, #tpu.memory_space<vmem>> -> memref<1x128xi32, #tpu.memory_space<vmem>>
      %dma_wait3A_203 = tpu.memref_squeeze %dma_wait3A_202 : memref<1x128xi32, #tpu.memory_space<vmem>> -> memref<128xi32, #tpu.memory_space<vmem>>
      %dma_wait3A_204 = arith.constant 0 : i32
      %dma_wait3A_205 = arith.constant 0 : i32
      %dma_wait3A_206 = tpu.memref_slice %arg2[%dma_wait3A_204, %dma_wait3A_205] : memref<20000x128xf32, #tpu.memory_space<hbm>> -> memref<20000x128xf32, #tpu.memory_space<hbm>>
      tpu.wait_indirect_dma semaphore(%arg17 : memref<!tpu.dma_semaphore, #tpu.memory_space<semaphore_mem>>) src(%dma_wait3A_206 : memref<20000x128xf32, #tpu.memory_space<hbm>>) dst(%arg11 : memref<128x128xf32, #tpu.memory_space<vmem>>)
      %add3A_207 = arith.constant 1 : i32
      %add3A_208 = arith.addi %add3A_199, %add3A_207 : i32
      %lt3A_209 = arith.cmpi slt, %add3A_208, %select_n3A_127 : i32
      %convert_element_type3A_210 = arith.extui %lt3A_209 : i1 to i32
      %cond3A_211 = arith.constant 0 : i32
      %cond3A_212 = arith.cmpi ne, %convert_element_type3A_210, %cond3A_211 : i32
      scf.if %cond3A_212 {
        %add3A_250 = arith.constant 1 : i32
        %add3A_251 = arith.addi %add3A_199, %add3A_250 : i32
        %dma_start3A_252 = arith.constant 0 : i32
        %dma_start3A_253 = tpu.memref_slice %arg9[%add3A_251, %dma_start3A_252] : memref<160x128xi32, #tpu.memory_space<vmem>> -> memref<1x128xi32, #tpu.memory_space<vmem>>
        %dma_start3A_254 = tpu.memref_squeeze %dma_start3A_253 : memref<1x128xi32, #tpu.memory_space<vmem>> -> memref<128xi32, #tpu.memory_space<vmem>>
        %dma_start3A_255 = arith.constant 0 : i32
        %dma_start3A_256 = arith.constant 0 : i32
        %dma_start3A_257 = tpu.memref_slice %arg2[%dma_start3A_255, %dma_start3A_256] : memref<20000x128xf32, #tpu.memory_space<hbm>> -> memref<20000x128xf32, #tpu.memory_space<hbm>>
        tpu.enqueue_indirect_dma source(%dma_start3A_257 : memref<20000x128xf32, #tpu.memory_space<hbm>>) target(%arg12 : memref<128x128xf32, #tpu.memory_space<vmem>>) offsets(%dma_start3A_254 : memref<128xi32, #tpu.memory_space<vmem>>) semaphore(%arg18 : memref<!tpu.dma_semaphore, #tpu.memory_space<semaphore_mem>>)
      } else {
      }
      "tpu.region"() ({
        %run_scoped3A = tpu.sem_alloc : memref<!tpu.dma_semaphore, #tpu.memory_space<semaphore_mem>>
        %dma_start3A_250 = arith.constant 0 : i32
        %dma_start3A_251 = tpu.memref_slice %arg10[%add3A_199, %dma_start3A_250] : memref<160x128xi32, #tpu.memory_space<vmem>> -> memref<1x128xi32, #tpu.memory_space<vmem>>
        %dma_start3A_252 = tpu.memref_squeeze %dma_start3A_251 : memref<1x128xi32, #tpu.memory_space<vmem>> -> memref<128xi32, #tpu.memory_space<vmem>>
        %dma_start3A_253 = arith.constant 0 : i32
        %dma_start3A_254 = arith.constant 0 : i32
        %dma_start3A_255 = tpu.memref_slice %arg15[%dma_start3A_253, %dma_start3A_254] : memref<5120x128xf32, #tpu.memory_space<vmem_shared>> -> memref<5120x128xf32, #tpu.memory_space<vmem_shared>>
        tpu.enqueue_indirect_dma source(%arg11 : memref<128x128xf32, #tpu.memory_space<vmem>>) target(%dma_start3A_255 : memref<5120x128xf32, #tpu.memory_space<vmem_shared>>) offsets(%dma_start3A_252 : memref<128xi32, #tpu.memory_space<vmem>>) semaphore(%run_scoped3A : memref<!tpu.dma_semaphore, #tpu.memory_space<semaphore_mem>>) {add = true}
        %dma_wait3A_256 = arith.constant 0 : i32
        %dma_wait3A_257 = tpu.memref_slice %arg10[%add3A_199, %dma_wait3A_256] : memref<160x128xi32, #tpu.memory_space<vmem>> -> memref<1x128xi32, #tpu.memory_space<vmem>>
        %dma_wait3A_258 = tpu.memref_squeeze %dma_wait3A_257 : memref<1x128xi32, #tpu.memory_space<vmem>> -> memref<128xi32, #tpu.memory_space<vmem>>
        %dma_wait3A_259 = arith.constant 0 : i32
        %dma_wait3A_260 = arith.constant 0 : i32
        %dma_wait3A_261 = tpu.memref_slice %arg15[%dma_wait3A_259, %dma_wait3A_260] : memref<5120x128xf32, #tpu.memory_space<vmem_shared>> -> memref<5120x128xf32, #tpu.memory_space<vmem_shared>>
        tpu.wait_indirect_dma semaphore(%run_scoped3A : memref<!tpu.dma_semaphore, #tpu.memory_space<semaphore_mem>>) src(%arg11 : memref<128x128xf32, #tpu.memory_space<vmem>>) dst(%dma_wait3A_261 : memref<5120x128xf32, #tpu.memory_space<vmem_shared>>)
        tpu.yield
      }) : () -> ()
      %ge3A_213 = arith.constant 1 : i32
      %ge3A_214 = arith.cmpi sge, %add3A_199, %ge3A_213 : i32
      %convert_element_type3A_215 = arith.extui %ge3A_214 : i1 to i32
      %cond3A_216 = arith.constant 0 : i32
      %cond3A_217 = arith.cmpi ne, %convert_element_type3A_215, %cond3A_216 : i32
      scf.if %cond3A_217 {
        %dma_wait3A_250 = arith.constant 0 : i32
        %dma_wait3A_251 = arith.constant 0 : i32
        %dma_wait3A_252 = tpu.memref_slice %arg10[%dma_wait3A_250, %dma_wait3A_251] : memref<160x128xi32, #tpu.memory_space<vmem>> -> memref<1x128xi32, #tpu.memory_space<vmem>>
        %dma_wait3A_253 = tpu.memref_squeeze %dma_wait3A_252 : memref<1x128xi32, #tpu.memory_space<vmem>> -> memref<128xi32, #tpu.memory_space<vmem>>
        %dma_wait3A_254 = arith.constant 0 : i32
        %dma_wait3A_255 = tpu.memref_slice %arg16[%dma_wait3A_254] : memref<5120xf32, #tpu.memory_space<vmem_shared>> -> memref<5120xf32, #tpu.memory_space<vmem_shared>>
        tpu.wait_indirect_dma semaphore(%arg21 : memref<!tpu.dma_semaphore, #tpu.memory_space<semaphore_mem>>) src(%arg13 : memref<128xf32, #tpu.memory_space<vmem>>) dst(%dma_wait3A_255 : memref<5120xf32, #tpu.memory_space<vmem_shared>>)
      } else {
      }
      %dma_start3A_218 = arith.constant 0 : i32
      %dma_start3A_219 = tpu.memref_slice %arg10[%add3A_199, %dma_start3A_218] : memref<160x128xi32, #tpu.memory_space<vmem>> -> memref<1x128xi32, #tpu.memory_space<vmem>>
      %dma_start3A_220 = tpu.memref_squeeze %dma_start3A_219 : memref<1x128xi32, #tpu.memory_space<vmem>> -> memref<128xi32, #tpu.memory_space<vmem>>
      %dma_start3A_221 = arith.constant 0 : i32
      %dma_start3A_222 = tpu.memref_slice %arg16[%dma_start3A_221] : memref<5120xf32, #tpu.memory_space<vmem_shared>> -> memref<5120xf32, #tpu.memory_space<vmem_shared>>
      tpu.enqueue_indirect_dma source(%arg13 : memref<128xf32, #tpu.memory_space<vmem>>) target(%dma_start3A_222 : memref<5120xf32, #tpu.memory_space<vmem_shared>>) offsets(%dma_start3A_220 : memref<128xi32, #tpu.memory_space<vmem>>) semaphore(%arg21 : memref<!tpu.dma_semaphore, #tpu.memory_space<semaphore_mem>>) {add = true}
      %mul3A_223 = arith.constant 2 : i32
      %mul3A_224 = arith.muli %mul3A_223, %while3A_195 : i32
      %add3A_225 = arith.constant 1 : i32
      %add3A_226 = arith.addi %mul3A_224, %add3A_225 : i32
      %dma_wait3A_227 = arith.constant 0 : i32
      %dma_wait3A_228 = arith.constant 0 : i32
      %dma_wait3A_229 = tpu.memref_slice %arg9[%dma_wait3A_227, %dma_wait3A_228] : memref<160x128xi32, #tpu.memory_space<vmem>> -> memref<1x128xi32, #tpu.memory_space<vmem>>
      %dma_wait3A_230 = tpu.memref_squeeze %dma_wait3A_229 : memref<1x128xi32, #tpu.memory_space<vmem>> -> memref<128xi32, #tpu.memory_space<vmem>>
      %dma_wait3A_231 = arith.constant 0 : i32
      %dma_wait3A_232 = arith.constant 0 : i32
      %dma_wait3A_233 = tpu.memref_slice %arg2[%dma_wait3A_231, %dma_wait3A_232] : memref<20000x128xf32, #tpu.memory_space<hbm>> -> memref<20000x128xf32, #tpu.memory_space<hbm>>
      tpu.wait_indirect_dma semaphore(%arg18 : memref<!tpu.dma_semaphore, #tpu.memory_space<semaphore_mem>>) src(%dma_wait3A_233 : memref<20000x128xf32, #tpu.memory_space<hbm>>) dst(%arg12 : memref<128x128xf32, #tpu.memory_space<vmem>>)
      %add3A_234 = arith.constant 1 : i32
      %add3A_235 = arith.addi %add3A_226, %add3A_234 : i32
      %lt3A_236 = arith.cmpi slt, %add3A_235, %select_n3A_127 : i32
      %convert_element_type3A_237 = arith.extui %lt3A_236 : i1 to i32
      %cond3A_238 = arith.constant 0 : i32
      %cond3A_239 = arith.cmpi ne, %convert_element_type3A_237, %cond3A_238 : i32
      scf.if %cond3A_239 {
        %add3A_250 = arith.constant 1 : i32
        %add3A_251 = arith.addi %add3A_226, %add3A_250 : i32
        %dma_start3A_252 = arith.constant 0 : i32
        %dma_start3A_253 = tpu.memref_slice %arg9[%add3A_251, %dma_start3A_252] : memref<160x128xi32, #tpu.memory_space<vmem>> -> memref<1x128xi32, #tpu.memory_space<vmem>>
        %dma_start3A_254 = tpu.memref_squeeze %dma_start3A_253 : memref<1x128xi32, #tpu.memory_space<vmem>> -> memref<128xi32, #tpu.memory_space<vmem>>
        %dma_start3A_255 = arith.constant 0 : i32
        %dma_start3A_256 = arith.constant 0 : i32
        %dma_start3A_257 = tpu.memref_slice %arg2[%dma_start3A_255, %dma_start3A_256] : memref<20000x128xf32, #tpu.memory_space<hbm>> -> memref<20000x128xf32, #tpu.memory_space<hbm>>
        tpu.enqueue_indirect_dma source(%dma_start3A_257 : memref<20000x128xf32, #tpu.memory_space<hbm>>) target(%arg11 : memref<128x128xf32, #tpu.memory_space<vmem>>) offsets(%dma_start3A_254 : memref<128xi32, #tpu.memory_space<vmem>>) semaphore(%arg17 : memref<!tpu.dma_semaphore, #tpu.memory_space<semaphore_mem>>)
      } else {
      }
      "tpu.region"() ({
        %run_scoped3A = tpu.sem_alloc : memref<!tpu.dma_semaphore, #tpu.memory_space<semaphore_mem>>
        %dma_start3A_250 = arith.constant 0 : i32
        %dma_start3A_251 = tpu.memref_slice %arg10[%add3A_226, %dma_start3A_250] : memref<160x128xi32, #tpu.memory_space<vmem>> -> memref<1x128xi32, #tpu.memory_space<vmem>>
        %dma_start3A_252 = tpu.memref_squeeze %dma_start3A_251 : memref<1x128xi32, #tpu.memory_space<vmem>> -> memref<128xi32, #tpu.memory_space<vmem>>
        %dma_start3A_253 = arith.constant 0 : i32
        %dma_start3A_254 = arith.constant 0 : i32
        %dma_start3A_255 = tpu.memref_slice %arg15[%dma_start3A_253, %dma_start3A_254] : memref<5120x128xf32, #tpu.memory_space<vmem_shared>> -> memref<5120x128xf32, #tpu.memory_space<vmem_shared>>
        tpu.enqueue_indirect_dma source(%arg12 : memref<128x128xf32, #tpu.memory_space<vmem>>) target(%dma_start3A_255 : memref<5120x128xf32, #tpu.memory_space<vmem_shared>>) offsets(%dma_start3A_252 : memref<128xi32, #tpu.memory_space<vmem>>) semaphore(%run_scoped3A : memref<!tpu.dma_semaphore, #tpu.memory_space<semaphore_mem>>) {add = true}
        %dma_wait3A_256 = arith.constant 0 : i32
        %dma_wait3A_257 = tpu.memref_slice %arg10[%add3A_226, %dma_wait3A_256] : memref<160x128xi32, #tpu.memory_space<vmem>> -> memref<1x128xi32, #tpu.memory_space<vmem>>
        %dma_wait3A_258 = tpu.memref_squeeze %dma_wait3A_257 : memref<1x128xi32, #tpu.memory_space<vmem>> -> memref<128xi32, #tpu.memory_space<vmem>>
        %dma_wait3A_259 = arith.constant 0 : i32
        %dma_wait3A_260 = arith.constant 0 : i32
        %dma_wait3A_261 = tpu.memref_slice %arg15[%dma_wait3A_259, %dma_wait3A_260] : memref<5120x128xf32, #tpu.memory_space<vmem_shared>> -> memref<5120x128xf32, #tpu.memory_space<vmem_shared>>
        tpu.wait_indirect_dma semaphore(%run_scoped3A : memref<!tpu.dma_semaphore, #tpu.memory_space<semaphore_mem>>) src(%arg12 : memref<128x128xf32, #tpu.memory_space<vmem>>) dst(%dma_wait3A_261 : memref<5120x128xf32, #tpu.memory_space<vmem_shared>>)
        tpu.yield
      }) : () -> ()
      %ge3A_240 = arith.constant 1 : i32
      %ge3A_241 = arith.cmpi sge, %add3A_226, %ge3A_240 : i32
      %convert_element_type3A_242 = arith.extui %ge3A_241 : i1 to i32
      %cond3A_243 = arith.constant 0 : i32
      %cond3A_244 = arith.cmpi ne, %convert_element_type3A_242, %cond3A_243 : i32
      scf.if %cond3A_244 {
        %dma_wait3A_250 = arith.constant 0 : i32
        %dma_wait3A_251 = arith.constant 0 : i32
        %dma_wait3A_252 = tpu.memref_slice %arg10[%dma_wait3A_250, %dma_wait3A_251] : memref<160x128xi32, #tpu.memory_space<vmem>> -> memref<1x128xi32, #tpu.memory_space<vmem>>
        %dma_wait3A_253 = tpu.memref_squeeze %dma_wait3A_252 : memref<1x128xi32, #tpu.memory_space<vmem>> -> memref<128xi32, #tpu.memory_space<vmem>>
        %dma_wait3A_254 = arith.constant 0 : i32
        %dma_wait3A_255 = tpu.memref_slice %arg16[%dma_wait3A_254] : memref<5120xf32, #tpu.memory_space<vmem_shared>> -> memref<5120xf32, #tpu.memory_space<vmem_shared>>
        tpu.wait_indirect_dma semaphore(%arg21 : memref<!tpu.dma_semaphore, #tpu.memory_space<semaphore_mem>>) src(%arg13 : memref<128xf32, #tpu.memory_space<vmem>>) dst(%dma_wait3A_255 : memref<5120xf32, #tpu.memory_space<vmem_shared>>)
      } else {
      }
      %dma_start3A_245 = arith.constant 0 : i32
      %dma_start3A_246 = tpu.memref_slice %arg10[%add3A_226, %dma_start3A_245] : memref<160x128xi32, #tpu.memory_space<vmem>> -> memref<1x128xi32, #tpu.memory_space<vmem>>
      %dma_start3A_247 = tpu.memref_squeeze %dma_start3A_246 : memref<1x128xi32, #tpu.memory_space<vmem>> -> memref<128xi32, #tpu.memory_space<vmem>>
      %dma_start3A_248 = arith.constant 0 : i32
      %dma_start3A_249 = tpu.memref_slice %arg16[%dma_start3A_248] : memref<5120xf32, #tpu.memory_space<vmem_shared>> -> memref<5120xf32, #tpu.memory_space<vmem_shared>>
      tpu.enqueue_indirect_dma source(%arg13 : memref<128xf32, #tpu.memory_space<vmem>>) target(%dma_start3A_249 : memref<5120xf32, #tpu.memory_space<vmem_shared>>) offsets(%dma_start3A_247 : memref<128xi32, #tpu.memory_space<vmem>>) semaphore(%arg21 : memref<!tpu.dma_semaphore, #tpu.memory_space<semaphore_mem>>) {add = true}
    }
    %dma_wait3A_174 = arith.constant 0 : i32
    %dma_wait3A_175 = arith.constant 0 : i32
    %dma_wait3A_176 = tpu.memref_slice %arg10[%dma_wait3A_174, %dma_wait3A_175] : memref<160x128xi32, #tpu.memory_space<vmem>> -> memref<1x128xi32, #tpu.memory_space<vmem>>
    %dma_wait3A_177 = tpu.memref_squeeze %dma_wait3A_176 : memref<1x128xi32, #tpu.memory_space<vmem>> -> memref<128xi32, #tpu.memory_space<vmem>>
    %dma_wait3A_178 = arith.constant 0 : i32
    %dma_wait3A_179 = tpu.memref_slice %arg16[%dma_wait3A_178] : memref<5120xf32, #tpu.memory_space<vmem_shared>> -> memref<5120xf32, #tpu.memory_space<vmem_shared>>
    tpu.wait_indirect_dma semaphore(%arg21 : memref<!tpu.dma_semaphore, #tpu.memory_space<semaphore_mem>>) src(%arg13 : memref<128xf32, #tpu.memory_space<vmem>>) dst(%dma_wait3A_179 : memref<5120xf32, #tpu.memory_space<vmem_shared>>)
    %barrier3A_180 = arith.constant 0 : index
    tpu.barrier barrier_id(%barrier3A_180)
    %lt3A_181 = arith.constant 5 : i32
    %lt3A_182 = arith.cmpi slt, %arg1, %lt3A_181 : i32
    %convert_element_type3A_183 = arith.extui %lt3A_182 : i1 to i32
    %cond3A_184 = arith.constant 0 : i32
    %cond3A_185 = arith.cmpi ne, %convert_element_type3A_183, %cond3A_184 : i32
    scf.if %cond3A_185 {
      %mul3A_195 = arith.constant 1000 : i32
      %mul3A_196 = arith.muli %arg1, %mul3A_195 : i32
      "tpu.region"() ({
        %run_scoped3A = tpu.sem_alloc : memref<!tpu.dma_semaphore, #tpu.memory_space<semaphore_mem>>
        %dma_start3A_197 = arith.constant 0 : i32
        %dma_start3A_198 = tpu.memref_slice %arg7[%add3A_131, %mul3A_196, %dma_start3A_197] : memref<4x5000x128xf32, #tpu.memory_space<hbm>> -> memref<1x1000x128xf32, #tpu.memory_space<hbm>>
        %dma_start3A_199 = tpu.memref_squeeze %dma_start3A_198 : memref<1x1000x128xf32, #tpu.memory_space<hbm>> -> memref<1000x128xf32, #tpu.memory_space<hbm>>
        %dma_start3A_200 = arith.constant 0 : i32
        %dma_start3A_201 = tpu.memref_slice %arg15[%mul3A_196, %dma_start3A_200] : memref<5120x128xf32, #tpu.memory_space<vmem_shared>> -> memref<1000x128xf32, #tpu.memory_space<vmem_shared>>
        tpu.enqueue_dma source(%dma_start3A_201 : memref<1000x128xf32, #tpu.memory_space<vmem_shared>>) target(%dma_start3A_199 : memref<1000x128xf32, #tpu.memory_space<hbm>>) target_semaphore(%run_scoped3A : memref<!tpu.dma_semaphore, #tpu.memory_space<semaphore_mem>>)
        %dma_wait3A_202 = arith.constant 0 : i32
        %dma_wait3A_203 = tpu.memref_slice %arg7[%add3A_131, %mul3A_196, %dma_wait3A_202] : memref<4x5000x128xf32, #tpu.memory_space<hbm>> -> memref<1x1000x128xf32, #tpu.memory_space<hbm>>
        %dma_wait3A_204 = tpu.memref_squeeze %dma_wait3A_203 : memref<1x1000x128xf32, #tpu.memory_space<hbm>> -> memref<1000x128xf32, #tpu.memory_space<hbm>>
        %dma_wait3A_205 = arith.constant 0 : i32
        %dma_wait3A_206 = tpu.memref_slice %arg15[%mul3A_196, %dma_wait3A_205] : memref<5120x128xf32, #tpu.memory_space<vmem_shared>> -> memref<1000x128xf32, #tpu.memory_space<vmem_shared>>
        tpu.wait_dma2 semaphore(%run_scoped3A : memref<!tpu.dma_semaphore, #tpu.memory_space<semaphore_mem>>) src(%dma_wait3A_206 : memref<1000x128xf32, #tpu.memory_space<vmem_shared>>) dst(%dma_wait3A_204 : memref<1000x128xf32, #tpu.memory_space<hbm>>)
        tpu.yield
      }) : () -> ()
    } else {
    }
    %ge3A_186 = arith.constant 5 : i32
    %ge3A_187 = arith.cmpi sge, %arg1, %ge3A_186 : i32
    %lt3A_188 = arith.constant 10 : i32
    %lt3A_189 = arith.cmpi slt, %arg1, %lt3A_188 : i32
    %and3A_190 = arith.andi %ge3A_187, %lt3A_189 : i1
    %convert_element_type3A_191 = arith.extui %and3A_190 : i1 to i32
    %cond3A_192 = arith.constant 0 : i32
    %cond3A_193 = arith.cmpi ne, %convert_element_type3A_191, %cond3A_192 : i32
    scf.if %cond3A_193 {
      %sub3A_195 = arith.constant 5 : i32
      %sub3A_196 = arith.subi %arg1, %sub3A_195 : i32
      %mul3A_197 = arith.constant 1000 : i32
      %mul3A_198 = arith.muli %sub3A_196, %mul3A_197 : i32
      "tpu.region"() ({
        %run_scoped3A = tpu.sem_alloc : memref<!tpu.dma_semaphore, #tpu.memory_space<semaphore_mem>>
        %dma_start3A_206 = arith.constant 0 : i32
        %dma_start3A_207 = tpu.memref_slice %arg14[%dma_start3A_206] : memref<1000xf32, #tpu.memory_space<vmem>> -> memref<1000xf32, #tpu.memory_space<vmem>>
        %dma_start3A_208 = tpu.memref_slice %arg16[%mul3A_198] : memref<5120xf32, #tpu.memory_space<vmem_shared>> -> memref<1000xf32, #tpu.memory_space<vmem_shared>>
        %dma_start3A_209 = arith.constant 0 : i32
        %dma_start3A_210 = tpu.memref_slice %arg14[%dma_start3A_209] : memref<1000xf32, #tpu.memory_space<vmem>> -> memref<1000xf32, #tpu.memory_space<vmem>>
        %dma_start3A_211 = tpu.memref_slice %arg16[%mul3A_198] : memref<5120xf32, #tpu.memory_space<vmem_shared>> -> memref<1000xf32, #tpu.memory_space<vmem_shared>>
        tpu.enqueue_dma source(%dma_start3A_211 : memref<1000xf32, #tpu.memory_space<vmem_shared>>) target(%dma_start3A_210 : memref<1000xf32, #tpu.memory_space<vmem>>) target_semaphore(%run_scoped3A : memref<!tpu.dma_semaphore, #tpu.memory_space<semaphore_mem>>)
        %dma_wait3A_212 = arith.constant 0 : i32
        %dma_wait3A_213 = tpu.memref_slice %arg14[%dma_wait3A_212] : memref<1000xf32, #tpu.memory_space<vmem>> -> memref<1000xf32, #tpu.memory_space<vmem>>
        %dma_wait3A_214 = tpu.memref_slice %arg16[%mul3A_198] : memref<5120xf32, #tpu.memory_space<vmem_shared>> -> memref<1000xf32, #tpu.memory_space<vmem_shared>>
        %dma_wait3A_215 = arith.constant 0 : i32
        %dma_wait3A_216 = tpu.memref_slice %arg14[%dma_wait3A_215] : memref<1000xf32, #tpu.memory_space<vmem>> -> memref<1000xf32, #tpu.memory_space<vmem>>
        %dma_wait3A_217 = tpu.memref_slice %arg16[%mul3A_198] : memref<5120xf32, #tpu.memory_space<vmem_shared>> -> memref<1000xf32, #tpu.memory_space<vmem_shared>>
        tpu.wait_dma2 semaphore(%run_scoped3A : memref<!tpu.dma_semaphore, #tpu.memory_space<semaphore_mem>>) src(%dma_wait3A_217 : memref<1000xf32, #tpu.memory_space<vmem_shared>>) dst(%dma_wait3A_216 : memref<1000xf32, #tpu.memory_space<vmem>>)
        tpu.yield
      }) : () -> ()
      %mul3A_199 = arith.constant 5000 : i32
      %mul3A_200 = arith.muli %add3A_131, %mul3A_199 : i32
      %sub3A_201 = arith.constant 5 : i32
      %sub3A_202 = arith.subi %arg1, %sub3A_201 : i32
      %mul3A_203 = arith.constant 1000 : i32
      %mul3A_204 = arith.muli %sub3A_202, %mul3A_203 : i32
      %add3A_205 = arith.addi %mul3A_200, %mul3A_204 : i32
      "tpu.region"() ({
        %run_scoped3A = tpu.sem_alloc : memref<!tpu.dma_semaphore, #tpu.memory_space<semaphore_mem>>
        %dma_start3A_206 = arith.constant 0 : i32
        %dma_start3A_207 = tpu.memref_slice %arg14[%dma_start3A_206] : memref<1000xf32, #tpu.memory_space<vmem>> -> memref<1000xf32, #tpu.memory_space<vmem>>
        %dma_start3A_208 = tpu.memref_slice %arg8[%add3A_205] : memref<20000xf32, #tpu.memory_space<hbm>> -> memref<1000xf32, #tpu.memory_space<hbm>>
        %dma_start3A_209 = tpu.memref_slice %arg8[%add3A_205] : memref<20000xf32, #tpu.memory_space<hbm>> -> memref<1000xf32, #tpu.memory_space<hbm>>
        %dma_start3A_210 = arith.constant 0 : i32
        %dma_start3A_211 = tpu.memref_slice %arg14[%dma_start3A_210] : memref<1000xf32, #tpu.memory_space<vmem>> -> memref<1000xf32, #tpu.memory_space<vmem>>
        tpu.enqueue_dma source(%dma_start3A_211 : memref<1000xf32, #tpu.memory_space<vmem>>) target(%dma_start3A_209 : memref<1000xf32, #tpu.memory_space<hbm>>) target_semaphore(%run_scoped3A : memref<!tpu.dma_semaphore, #tpu.memory_space<semaphore_mem>>)
        %dma_wait3A_212 = arith.constant 0 : i32
        %dma_wait3A_213 = tpu.memref_slice %arg14[%dma_wait3A_212] : memref<1000xf32, #tpu.memory_space<vmem>> -> memref<1000xf32, #tpu.memory_space<vmem>>
        %dma_wait3A_214 = tpu.memref_slice %arg8[%add3A_205] : memref<20000xf32, #tpu.memory_space<hbm>> -> memref<1000xf32, #tpu.memory_space<hbm>>
        %dma_wait3A_215 = tpu.memref_slice %arg8[%add3A_205] : memref<20000xf32, #tpu.memory_space<hbm>> -> memref<1000xf32, #tpu.memory_space<hbm>>
        %dma_wait3A_216 = arith.constant 0 : i32
        %dma_wait3A_217 = tpu.memref_slice %arg14[%dma_wait3A_216] : memref<1000xf32, #tpu.memory_space<vmem>> -> memref<1000xf32, #tpu.memory_space<vmem>>
        tpu.wait_dma2 semaphore(%run_scoped3A : memref<!tpu.dma_semaphore, #tpu.memory_space<semaphore_mem>>) src(%dma_wait3A_217 : memref<1000xf32, #tpu.memory_space<vmem>>) dst(%dma_wait3A_215 : memref<1000xf32, #tpu.memory_space<hbm>>)
        tpu.yield
      }) : () -> ()
    } else {
    }
    %barrier3A_194 = arith.constant 0 : index
    tpu.barrier barrier_id(%barrier3A_194)
    return
  }
}

module attributes {stable_mosaic.version = 14 : i64} {
  func.func @_prep_body(%arg0: i32, %arg1: memref<1000x128xf32, #tpu.memory_space<vmem>>, %arg2: memref<1000x128xf32, #tpu.memory_space<vmem>>, %arg3: memref<1x128xf32, #tpu.memory_space<vmem>>, %arg4: memref<128x128xf32, #tpu.memory_space<vmem>>, %arg5: memref<128x128xf32, #tpu.memory_space<vmem>>, %arg6: memref<128x128xf32, #tpu.memory_space<vmem>>, %arg7: memref<1000x128xf32, #tpu.memory_space<vmem>>, %arg8: memref<128x128xf32, #tpu.memory_space<vmem>>, %arg9: memref<128x128xf32, #tpu.memory_space<vmem>>) attributes {dimension_semantics = [#tpu.dimension_semantics<arbitrary>], iteration_bounds = array<i64: 20>, scalar_prefetch = 0 : i64, scratch_operands = 0 : i64, tpu.core_type = #tpu.core_type<tc>, window_params = [{transform_indices = @transform_0, window_bounds = array<i64: 1000, 128>}, {transform_indices = @transform_1, window_bounds = array<i64: 1000, 128>}, {pipeline_mode = #tpu.pipeline_mode<synchronous>, transform_indices = @transform_2, window_bounds = array<i64: 1, 128>}, {pipeline_mode = #tpu.pipeline_mode<synchronous>, transform_indices = @transform_3, window_bounds = array<i64: 128, 128>}, {pipeline_mode = #tpu.pipeline_mode<synchronous>, transform_indices = @transform_4, window_bounds = array<i64: 128, 128>}, {pipeline_mode = #tpu.pipeline_mode<synchronous>, transform_indices = @transform_5, window_bounds = array<i64: 128, 128>}, {transform_indices = @transform_6, window_bounds = array<i64: 1000, 128>}, {pipeline_mode = #tpu.pipeline_mode<synchronous>, transform_indices = @transform_7, window_bounds = array<i64: 128, 128>}, {pipeline_mode = #tpu.pipeline_mode<synchronous>, transform_indices = @transform_8, window_bounds = array<i64: 128, 128>}]} {
    %jit3A = arith.constant 2 : i32
    %eq3A = arith.constant 0 : i32
    %eq3A_0 = arith.cmpi eq, %jit3A, %eq3A : i32
    %jit3A_1 = arith.constant 1 : i32
    %select_n3A = arith.select %eq3A_0, %jit3A_1, %jit3A : i32
    %rem3A = arith.remsi %arg0, %select_n3A : i32
    %ne3A = arith.constant 0 : i32
    %ne3A_2 = arith.cmpi ne, %rem3A, %ne3A : i32
    %lt3A = arith.constant 0 : i32
    %lt3A_3 = arith.cmpi slt, %rem3A, %lt3A : i32
    %lt3A_4 = arith.constant 0 : i32
    %lt3A_5 = arith.cmpi slt, %select_n3A, %lt3A_4 : i32
    %ne3A_6 = arith.xori %lt3A_3, %lt3A_5 : i1
    %and3A = arith.andi %ne3A_6, %ne3A_2 : i1
    %add3A = arith.addi %rem3A, %select_n3A : i32
    %select_n3A_7 = arith.select %and3A, %add3A, %rem3A : i32
    %jit3A_8 = arith.constant 2 : i32
    %div3A = arith.divsi %arg0, %jit3A_8 : i32
    %sign3A = arith.constant 0 : i32
    %sign3A_9 = arith.cmpi sgt, %arg0, %sign3A : i32
    %sign3A_10 = arith.extui %sign3A_9 : i1 to i32
    %sign3A_11 = arith.constant 0 : i32
    %sign3A_12 = arith.cmpi slt, %arg0, %sign3A_11 : i32
    %sign3A_13 = arith.extui %sign3A_12 : i1 to i32
    %sign3A_14 = arith.subi %sign3A_10, %sign3A_13 : i32
    %sign3A_15 = arith.constant 0 : i32
    %sign3A_16 = arith.cmpi sgt, %jit3A_8, %sign3A_15 : i32
    %sign3A_17 = arith.extui %sign3A_16 : i1 to i32
    %sign3A_18 = arith.constant 0 : i32
    %sign3A_19 = arith.cmpi slt, %jit3A_8, %sign3A_18 : i32
    %sign3A_20 = arith.extui %sign3A_19 : i1 to i32
    %sign3A_21 = arith.subi %sign3A_17, %sign3A_20 : i32
    %ne3A_22 = arith.cmpi ne, %sign3A_14, %sign3A_21 : i32
    %rem3A_23 = arith.remsi %arg0, %jit3A_8 : i32
    %ne3A_24 = arith.constant 0 : i32
    %ne3A_25 = arith.cmpi ne, %rem3A_23, %ne3A_24 : i32
    %and3A_26 = arith.andi %ne3A_22, %ne3A_25 : i1
    %sub3A = arith.constant 1 : i32
    %sub3A_27 = arith.subi %div3A, %sub3A : i32
    %select_n3A_28 = arith.select %and3A_26, %sub3A_27, %div3A : i32
    %lt3A_29 = arith.constant 3 : i32
    %lt3A_30 = arith.cmpi slt, %select_n3A_28, %lt3A_29 : i32
    %convert_element_type3A = arith.extui %lt3A_30 : i1 to i32
    %cond3A = arith.constant 0 : i32
    %cond3A_31 = arith.cmpi ne, %convert_element_type3A, %cond3A : i32
    scf.if %cond3A_31 {
      %get3A = arith.constant 0 : index
      %get3A_41 = arith.constant 0 : index
      %get3A_42 = vector.load %arg3[%get3A, %get3A_41] : memref<1x128xf32, #tpu.memory_space<vmem>>, vector<1x128xf32>
      %broadcast_in_dim3A = vector.shape_cast %get3A_42 : vector<1x128xf32> to vector<1x128xf32>
      %broadcast_in_dim3A_43 = vector.broadcast %broadcast_in_dim3A : vector<1x128xf32> to vector<1000x128xf32>
      %swap3A = arith.constant 0 : index
      %swap3A_44 = arith.constant 0 : index
      %swap3A_45 = vector.load %arg7[%swap3A, %swap3A_44] : memref<1000x128xf32, #tpu.memory_space<vmem>>, vector<1000x128xf32>
      tpu.vector_store %arg7[%swap3A, %swap3A_44], %broadcast_in_dim3A_43 {strides = array<i32>} : memref<1000x128xf32, #tpu.memory_space<vmem>>, vector<1000x128xf32>,
    } else {
    }
    %ge3A = arith.constant 3 : i32
    %ge3A_32 = arith.cmpi sge, %select_n3A_28, %ge3A : i32
    %convert_element_type3A_33 = arith.extui %ge3A_32 : i1 to i32
    %cond3A_34 = arith.constant 0 : i32
    %cond3A_35 = arith.cmpi ne, %convert_element_type3A_33, %cond3A_34 : i32
    scf.if %cond3A_35 {
      %eq3A_41 = arith.constant 0 : i32
      %eq3A_42 = arith.cmpi eq, %select_n3A_7, %eq3A_41 : i32
      %get3A = arith.constant 0 : index
      %get3A_43 = arith.constant 0 : index
      %get3A_44 = vector.load %arg1[%get3A, %get3A_43] : memref<1000x128xf32, #tpu.memory_space<vmem>>, vector<1000x128xf32>
      %get3A_45 = arith.constant 0 : index
      %get3A_46 = arith.constant 0 : index
      %get3A_47 = vector.load %arg2[%get3A_45, %get3A_46] : memref<1000x128xf32, #tpu.memory_space<vmem>>, vector<1000x128xf32>
      %select_n3A_48 = arith.select %eq3A_42, %get3A_44, %get3A_47 : vector<1000x128xf32>
      %swap3A = arith.constant 0 : index
      %swap3A_49 = arith.constant 0 : index
      %swap3A_50 = vector.load %arg7[%swap3A, %swap3A_49] : memref<1000x128xf32, #tpu.memory_space<vmem>>, vector<1000x128xf32>
      tpu.vector_store %arg7[%swap3A, %swap3A_49], %select_n3A_48 {strides = array<i32>} : memref<1000x128xf32, #tpu.memory_space<vmem>>, vector<1000x128xf32>,
    } else {
    }
    %eq3A_36 = arith.constant 0 : i32
    %eq3A_37 = arith.cmpi eq, %arg0, %eq3A_36 : i32
    %convert_element_type3A_38 = arith.extui %eq3A_37 : i1 to i32
    %cond3A_39 = arith.constant 0 : i32
    %cond3A_40 = arith.cmpi ne, %convert_element_type3A_38, %cond3A_39 : i32
    scf.if %cond3A_40 {
      %get3A = arith.constant 0 : index
      %get3A_41 = arith.constant 0 : index
      %get3A_42 = vector.load %arg4[%get3A, %get3A_41] : memref<128x128xf32, #tpu.memory_space<vmem>>, vector<128x128xf32>
      %get3A_43 = arith.constant 0 : index
      %get3A_44 = arith.constant 0 : index
      %get3A_45 = vector.load %arg5[%get3A_43, %get3A_44] : memref<128x128xf32, #tpu.memory_space<vmem>>, vector<128x128xf32>
      %dot_general3A = arith.constant dense<0.000000e+00> : vector<128x128xf32>
      %dot_general3A_46 = tpu.matmul %get3A_42, %get3A_45, %dot_general3A {dimension_numbers = #tpu.dot_dimension_numbers<[1], [0], [0], [1], [0, 0, 1, 1], [], []>, transpose_lhs_hint = false} : vector<128x128xf32>, vector<128x128xf32>, vector<128x128xf32> -> vector<128x128xf32>
      %swap3A = arith.constant 0 : index
      %swap3A_47 = arith.constant 0 : index
      %swap3A_48 = vector.load %arg8[%swap3A, %swap3A_47] : memref<128x128xf32, #tpu.memory_space<vmem>>, vector<128x128xf32>
      tpu.vector_store %arg8[%swap3A, %swap3A_47], %dot_general3A_46 {strides = array<i32>} : memref<128x128xf32, #tpu.memory_space<vmem>>, vector<128x128xf32>,
      %get3A_49 = arith.constant 0 : index
      %get3A_50 = arith.constant 0 : index
      %get3A_51 = vector.load %arg6[%get3A_49, %get3A_50] : memref<128x128xf32, #tpu.memory_space<vmem>>, vector<128x128xf32>
      %dot_general3A_52 = arith.constant dense<0.000000e+00> : vector<128x128xf32>
      %dot_general3A_53 = tpu.matmul %get3A_42, %get3A_51, %dot_general3A_52 {dimension_numbers = #tpu.dot_dimension_numbers<[1], [0], [0], [1], [0, 0, 1, 1], [], []>, transpose_lhs_hint = false} : vector<128x128xf32>, vector<128x128xf32>, vector<128x128xf32> -> vector<128x128xf32>
      %swap3A_54 = arith.constant 0 : index
      %swap3A_55 = arith.constant 0 : index
      %swap3A_56 = vector.load %arg9[%swap3A_54, %swap3A_55] : memref<128x128xf32, #tpu.memory_space<vmem>>, vector<128x128xf32>
      tpu.vector_store %arg9[%swap3A_54, %swap3A_55], %dot_general3A_53 {strides = array<i32>} : memref<128x128xf32, #tpu.memory_space<vmem>>, vector<128x128xf32>,
    } else {
    }
    return
  }
  func.func @transform_0(%arg0: i32) -> (i32, i32) {
    %jit3A = arith.constant 2 : i32
    %div3A = arith.divsi %arg0, %jit3A : i32
    %sign3A = arith.constant 0 : i32
    %sign3A_0 = arith.cmpi sgt, %arg0, %sign3A : i32
    %sign3A_1 = arith.extui %sign3A_0 : i1 to i32
    %sign3A_2 = arith.constant 0 : i32
    %sign3A_3 = arith.cmpi slt, %arg0, %sign3A_2 : i32
    %sign3A_4 = arith.extui %sign3A_3 : i1 to i32
    %sign3A_5 = arith.subi %sign3A_1, %sign3A_4 : i32
    %sign3A_6 = arith.constant 0 : i32
    %sign3A_7 = arith.cmpi sgt, %jit3A, %sign3A_6 : i32
    %sign3A_8 = arith.extui %sign3A_7 : i1 to i32
    %sign3A_9 = arith.constant 0 : i32
    %sign3A_10 = arith.cmpi slt, %jit3A, %sign3A_9 : i32
    %sign3A_11 = arith.extui %sign3A_10 : i1 to i32
    %sign3A_12 = arith.subi %sign3A_8, %sign3A_11 : i32
    %ne3A = arith.cmpi ne, %sign3A_5, %sign3A_12 : i32
    %rem3A = arith.remsi %arg0, %jit3A : i32
    %ne3A_13 = arith.constant 0 : i32
    %ne3A_14 = arith.cmpi ne, %rem3A, %ne3A_13 : i32
    %and3A = arith.andi %ne3A, %ne3A_14 : i1
    %sub3A = arith.constant 1 : i32
    %sub3A_15 = arith.subi %div3A, %sub3A : i32
    %select_n3A = arith.select %and3A, %sub3A_15, %div3A : i32
    %c0_i32 = arith.constant 0 : i32
    %c0_i32_16 = arith.constant 0 : i32
    return %select_n3A, %c0_i32 : i32, i32
  }
  func.func @transform_1(%arg0: i32) -> (i32, i32) {
    %jit3A = arith.constant 2 : i32
    %div3A = arith.divsi %arg0, %jit3A : i32
    %sign3A = arith.constant 0 : i32
    %sign3A_0 = arith.cmpi sgt, %arg0, %sign3A : i32
    %sign3A_1 = arith.extui %sign3A_0 : i1 to i32
    %sign3A_2 = arith.constant 0 : i32
    %sign3A_3 = arith.cmpi slt, %arg0, %sign3A_2 : i32
    %sign3A_4 = arith.extui %sign3A_3 : i1 to i32
    %sign3A_5 = arith.subi %sign3A_1, %sign3A_4 : i32
    %sign3A_6 = arith.constant 0 : i32
    %sign3A_7 = arith.cmpi sgt, %jit3A, %sign3A_6 : i32
    %sign3A_8 = arith.extui %sign3A_7 : i1 to i32
    %sign3A_9 = arith.constant 0 : i32
    %sign3A_10 = arith.cmpi slt, %jit3A, %sign3A_9 : i32
    %sign3A_11 = arith.extui %sign3A_10 : i1 to i32
    %sign3A_12 = arith.subi %sign3A_8, %sign3A_11 : i32
    %ne3A = arith.cmpi ne, %sign3A_5, %sign3A_12 : i32
    %rem3A = arith.remsi %arg0, %jit3A : i32
    %ne3A_13 = arith.constant 0 : i32
    %ne3A_14 = arith.cmpi ne, %rem3A, %ne3A_13 : i32
    %and3A = arith.andi %ne3A, %ne3A_14 : i1
    %sub3A = arith.constant 1 : i32
    %sub3A_15 = arith.subi %div3A, %sub3A : i32
    %select_n3A = arith.select %and3A, %sub3A_15, %div3A : i32
    %c0_i32 = arith.constant 0 : i32
    %c0_i32_16 = arith.constant 0 : i32
    return %select_n3A, %c0_i32 : i32, i32
  }
  func.func @transform_2(%arg0: i32) -> (i32, i32) {
    %c0_i32 = arith.constant 0 : i32
    %c0_i32_0 = arith.constant 0 : i32
    %c0_i32_1 = arith.constant 0 : i32
    return %c0_i32, %c0_i32_0 : i32, i32
  }
  func.func @transform_3(%arg0: i32) -> (i32, i32) {
    %c0_i32 = arith.constant 0 : i32
    %c0_i32_0 = arith.constant 0 : i32
    %c0_i32_1 = arith.constant 0 : i32
    return %c0_i32, %c0_i32_0 : i32, i32
  }
  func.func @transform_4(%arg0: i32) -> (i32, i32) {
    %c0_i32 = arith.constant 0 : i32
    %c0_i32_0 = arith.constant 0 : i32
    %c0_i32_1 = arith.constant 0 : i32
    return %c0_i32, %c0_i32_0 : i32, i32
  }
  func.func @transform_5(%arg0: i32) -> (i32, i32) {
    %c0_i32 = arith.constant 0 : i32
    %c0_i32_0 = arith.constant 0 : i32
    %c0_i32_1 = arith.constant 0 : i32
    return %c0_i32, %c0_i32_0 : i32, i32
  }
  func.func @transform_6(%arg0: i32) -> (i32, i32) {
    %jit3A = arith.constant 2 : i32
    %eq3A = arith.constant 0 : i32
    %eq3A_0 = arith.cmpi eq, %jit3A, %eq3A : i32
    %jit3A_1 = arith.constant 1 : i32
    %select_n3A = arith.select %eq3A_0, %jit3A_1, %jit3A : i32
    %rem3A = arith.remsi %arg0, %select_n3A : i32
    %ne3A = arith.constant 0 : i32
    %ne3A_2 = arith.cmpi ne, %rem3A, %ne3A : i32
    %lt3A = arith.constant 0 : i32
    %lt3A_3 = arith.cmpi slt, %rem3A, %lt3A : i32
    %lt3A_4 = arith.constant 0 : i32
    %lt3A_5 = arith.cmpi slt, %select_n3A, %lt3A_4 : i32
    %ne3A_6 = arith.xori %lt3A_3, %lt3A_5 : i1
    %and3A = arith.andi %ne3A_6, %ne3A_2 : i1
    %add3A = arith.addi %rem3A, %select_n3A : i32
    %select_n3A_7 = arith.select %and3A, %add3A, %rem3A : i32
    %mul3A = arith.constant 10 : i32
    %mul3A_8 = arith.muli %select_n3A_7, %mul3A : i32
    %jit3A_9 = arith.constant 2 : i32
    %div3A = arith.divsi %arg0, %jit3A_9 : i32
    %sign3A = arith.constant 0 : i32
    %sign3A_10 = arith.cmpi sgt, %arg0, %sign3A : i32
    %sign3A_11 = arith.extui %sign3A_10 : i1 to i32
    %sign3A_12 = arith.constant 0 : i32
    %sign3A_13 = arith.cmpi slt, %arg0, %sign3A_12 : i32
    %sign3A_14 = arith.extui %sign3A_13 : i1 to i32
    %sign3A_15 = arith.subi %sign3A_11, %sign3A_14 : i32
    %sign3A_16 = arith.constant 0 : i32
    %sign3A_17 = arith.cmpi sgt, %jit3A_9, %sign3A_16 : i32
    %sign3A_18 = arith.extui %sign3A_17 : i1 to i32
    %sign3A_19 = arith.constant 0 : i32
    %sign3A_20 = arith.cmpi slt, %jit3A_9, %sign3A_19 : i32
    %sign3A_21 = arith.extui %sign3A_20 : i1 to i32
    %sign3A_22 = arith.subi %sign3A_18, %sign3A_21 : i32
    %ne3A_23 = arith.cmpi ne, %sign3A_15, %sign3A_22 : i32
    %rem3A_24 = arith.remsi %arg0, %jit3A_9 : i32
    %ne3A_25 = arith.constant 0 : i32
    %ne3A_26 = arith.cmpi ne, %rem3A_24, %ne3A_25 : i32
    %and3A_27 = arith.andi %ne3A_23, %ne3A_26 : i1
    %sub3A = arith.constant 1 : i32
    %sub3A_28 = arith.subi %div3A, %sub3A : i32
    %select_n3A_29 = arith.select %and3A_27, %sub3A_28, %div3A : i32
    %add3A_30 = arith.addi %mul3A_8, %select_n3A_29 : i32
    %c0_i32 = arith.constant 0 : i32
    %c0_i32_31 = arith.constant 0 : i32
    return %add3A_30, %c0_i32 : i32, i32
  }
  func.func @transform_7(%arg0: i32) -> (i32, i32) {
    %c0_i32 = arith.constant 0 : i32
    %c0_i32_0 = arith.constant 0 : i32
    %c0_i32_1 = arith.constant 0 : i32
    return %c0_i32, %c0_i32_0 : i32, i32
  }
  func.func @transform_8(%arg0: i32) -> (i32, i32) {
    %c0_i32 = arith.constant 0 : i32
    %c0_i32_0 = arith.constant 0 : i32
    %c0_i32_1 = arith.constant 0 : i32
    return %c0_i32, %c0_i32_0 : i32, i32
  }
}

module attributes {stable_mosaic.version = 14 : i64} {
  func.func @_finale_body(%arg0: i32, %arg1: memref<1000x128xf32, #tpu.memory_space<vmem>>, %arg2: memref<1000x1xf32, #tpu.memory_space<vmem>>, %arg3: memref<1000x128xf32, #tpu.memory_space<vmem>>, %arg4: memref<1000x1xf32, #tpu.memory_space<vmem>>, %arg5: memref<1000x128xf32, #tpu.memory_space<vmem>>, %arg6: memref<1000x1xf32, #tpu.memory_space<vmem>>, %arg7: memref<1000x128xf32, #tpu.memory_space<vmem>>, %arg8: memref<1000x1xf32, #tpu.memory_space<vmem>>, %arg9: memref<1000x128xf32, #tpu.memory_space<vmem>>, %arg10: memref<1000x128xf32, #tpu.memory_space<vmem>>, %arg11: memref<1000x1xi32, #tpu.memory_space<vmem>>, %arg12: memref<128x128xf32, #tpu.memory_space<vmem>>, %arg13: memref<1x128xf32, #tpu.memory_space<vmem>>, %arg14: memref<128x128xf32, #tpu.memory_space<vmem>>, %arg15: memref<1x128xf32, #tpu.memory_space<vmem>>, %arg16: memref<1x1xf32, #tpu.memory_space<vmem>>) attributes {dimension_semantics = [#tpu.dimension_semantics<arbitrary>], iteration_bounds = array<i64: 10>, scalar_prefetch = 0 : i64, scratch_operands = 0 : i64, tpu.core_type = #tpu.core_type<tc>, window_params = [{transform_indices = @transform_0, window_bounds = array<i64: 1000, 128>}, {transform_indices = @transform_1, window_bounds = array<i64: 1000, 1>}, {transform_indices = @transform_2, window_bounds = array<i64: 1000, 128>}, {transform_indices = @transform_3, window_bounds = array<i64: 1000, 1>}, {transform_indices = @transform_4, window_bounds = array<i64: 1000, 128>}, {transform_indices = @transform_5, window_bounds = array<i64: 1000, 1>}, {transform_indices = @transform_6, window_bounds = array<i64: 1000, 128>}, {transform_indices = @transform_7, window_bounds = array<i64: 1000, 1>}, {transform_indices = @transform_8, window_bounds = array<i64: 1000, 128>}, {transform_indices = @transform_9, window_bounds = array<i64: 1000, 128>}, {transform_indices = @transform_10, window_bounds = array<i64: 1000, 1>}, {pipeline_mode = #tpu.pipeline_mode<synchronous>, transform_indices = @transform_11, window_bounds = array<i64: 128, 128>}, {pipeline_mode = #tpu.pipeline_mode<synchronous>, transform_indices = @transform_12, window_bounds = array<i64: 1, 128>}, {pipeline_mode = #tpu.pipeline_mode<synchronous>, transform_indices = @transform_13, window_bounds = array<i64: 128, 128>}, {pipeline_mode = #tpu.pipeline_mode<synchronous>, transform_indices = @transform_14, window_bounds = array<i64: 1, 128>}, {pipeline_mode = #tpu.pipeline_mode<synchronous>, transform_indices = @transform_15, window_bounds = array<i64: 1, 1>}]} {
    %eq3A = arith.constant 0 : i32
    %eq3A_0 = arith.cmpi eq, %arg0, %eq3A : i32
    %convert_element_type3A = arith.extui %eq3A_0 : i1 to i32
    %cond3A = arith.constant 0 : i32
    %cond3A_1 = arith.cmpi ne, %convert_element_type3A, %cond3A : i32
    scf.if %cond3A_1 {
      %broadcast_in_dim3A_183 = arith.constant 0.000000e+00 : f32
      %broadcast_in_dim3A_184 = vector.broadcast %broadcast_in_dim3A_183 : f32 to vector<1x1xf32>
      %swap3A_185 = arith.constant 0 : index
      %swap3A_186 = arith.constant 0 : index
      %swap3A_187 = vector.load %arg16[%swap3A_185, %swap3A_186] : memref<1x1xf32, #tpu.memory_space<vmem>>, vector<1x1xf32>
      tpu.vector_store %arg16[%swap3A_185, %swap3A_186], %broadcast_in_dim3A_184 {strides = array<i32>} : memref<1x1xf32, #tpu.memory_space<vmem>>, vector<1x1xf32>,
    } else {
    }
    %lt3A = arith.constant 5 : i32
    %lt3A_2 = arith.cmpi slt, %arg0, %lt3A : i32
    %get3A = arith.constant 0 : index
    %get3A_3 = arith.constant 0 : index
    %get3A_4 = vector.load %arg3[%get3A, %get3A_3] : memref<1000x128xf32, #tpu.memory_space<vmem>>, vector<1000x128xf32>
    %get3A_5 = arith.constant 0 : index
    %get3A_6 = arith.constant 0 : index
    %get3A_7 = vector.load %arg5[%get3A_5, %get3A_6] : memref<1000x128xf32, #tpu.memory_space<vmem>>, vector<1000x128xf32>
    %get3A_8 = arith.constant 0 : index
    %get3A_9 = arith.constant 0 : index
    %get3A_10 = vector.load %arg7[%get3A_8, %get3A_9] : memref<1000x128xf32, #tpu.memory_space<vmem>>, vector<1000x128xf32>
    %add3A = arith.addf %get3A_7, %get3A_10 : vector<1000x128xf32>
    %select_n3A = arith.select %lt3A_2, %get3A_4, %add3A : vector<1000x128xf32>
    %get3A_11 = arith.constant 0 : index
    %get3A_12 = arith.constant 0 : index
    %get3A_13 = vector.load %arg4[%get3A_11, %get3A_12] : memref<1000x1xf32, #tpu.memory_space<vmem>>, vector<1000x1xf32>
    %get3A_14 = arith.constant 0 : index
    %get3A_15 = arith.constant 0 : index
    %get3A_16 = vector.load %arg6[%get3A_14, %get3A_15] : memref<1000x1xf32, #tpu.memory_space<vmem>>, vector<1000x1xf32>
    %get3A_17 = arith.constant 0 : index
    %get3A_18 = arith.constant 0 : index
    %get3A_19 = vector.load %arg8[%get3A_17, %get3A_18] : memref<1000x1xf32, #tpu.memory_space<vmem>>, vector<1000x1xf32>
    %add3A_20 = arith.addf %get3A_16, %get3A_19 : vector<1000x1xf32>
    %select_n3A_21 = arith.select %lt3A_2, %get3A_13, %add3A_20 : vector<1000x1xf32>
    %max3A = arith.constant 1.000000e+00 : f32
    %max3A_22 = vector.broadcast %max3A : f32 to vector<1000x1xf32>
    %max3A_23 = arith.maximumf %select_n3A_21, %max3A_22 : vector<1000x1xf32>
    %div3A = vector.broadcast %max3A_23 : vector<1000x1xf32> to vector<1000x128xf32>
    %div3A_24 = arith.divf %select_n3A, %div3A : vector<1000x128xf32>
    %get3A_25 = arith.constant 0 : index
    %get3A_26 = arith.constant 0 : index
    %get3A_27 = vector.load %arg14[%get3A_25, %get3A_26] : memref<128x128xf32, #tpu.memory_space<vmem>>, vector<128x128xf32>
    %dot_general3A = arith.constant dense<0.000000e+00> : vector<1000x128xf32>
    %dot_general3A_28 = tpu.matmul %div3A_24, %get3A_27, %dot_general3A {dimension_numbers = #tpu.dot_dimension_numbers<[1], [0], [0], [1], [0, 0, 1, 1], [], []>, transpose_lhs_hint = false} : vector<1000x128xf32>, vector<128x128xf32>, vector<1000x128xf32> -> vector<1000x128xf32>
    %get3A_29 = arith.constant 0 : index
    %get3A_30 = arith.constant 0 : index
    %get3A_31 = vector.load %arg15[%get3A_29, %get3A_30] : memref<1x128xf32, #tpu.memory_space<vmem>>, vector<1x128xf32>
    %add3A_32 = vector.broadcast %get3A_31 : vector<1x128xf32> to vector<1000x128xf32>
    %add3A_33 = arith.addf %dot_general3A_28, %add3A_32 : vector<1000x128xf32>
    %iota3A = tpu.iota {dimensions = array<i32: 1>} : vector<1000x128xi32>
    %lt3A_34 = arith.constant 5 : i32
    %lt3A_35 = vector.broadcast %lt3A_34 : i32 to vector<1000x128xi32>
    %lt3A_36 = arith.cmpi slt, %iota3A, %lt3A_35 : vector<1000x128xi32>
    %jit3A = arith.constant -1.000000e+30 : f32
    %broadcast_in_dim3A = vector.broadcast %jit3A : f32 to vector<1000x128xf32>
    %select_n3A_37 = arith.select %lt3A_36, %add3A_33, %broadcast_in_dim3A : vector<1000x128xi1>, vector<1000x128xf32>
    %reduce_max3A = arith.constant dense<0xFF800000> : vector<1000xf32>
    %reduce_max3A_38 = vector.multi_reduction <maximumf>, %select_n3A_37, %reduce_max3A [1] : vector<1000x128xf32> to vector<1000xf32>
    %broadcast_in_dim3A_39 = vector.shape_cast %reduce_max3A_38 : vector<1000xf32> to vector<1000x1xf32>
    %sub3A = vector.broadcast %broadcast_in_dim3A_39 : vector<1000x1xf32> to vector<1000x128xf32>
    %sub3A_40 = arith.subf %select_n3A_37, %sub3A : vector<1000x128xf32>
    %exp3A = math.exp %sub3A_40 : vector<1000x128xf32>
    %jit3A_41 = arith.constant 0.000000e+00 : f32
    %broadcast_in_dim3A_42 = vector.broadcast %jit3A_41 : f32 to vector<1000x128xf32>
    %select_n3A_43 = arith.select %lt3A_36, %exp3A, %broadcast_in_dim3A_42 : vector<1000x128xi1>, vector<1000x128xf32>
    %reduce_sum3A = arith.constant dense<0.000000e+00> : vector<1000xf32>
    %reduce_sum3A_44 = vector.multi_reduction <add>, %select_n3A_43, %reduce_sum3A [1] : vector<1000x128xf32> to vector<1000xf32>
    %broadcast_in_dim3A_45 = vector.shape_cast %reduce_sum3A_44 : vector<1000xf32> to vector<1000x1xf32>
    %log3A = math.log %broadcast_in_dim3A_45 : vector<1000x1xf32>
    %add3A_46 = arith.addf %log3A, %broadcast_in_dim3A_39 : vector<1000x1xf32>
    %get3A_47 = arith.constant 0 : index
    %get3A_48 = arith.constant 0 : index
    %get3A_49 = vector.load %arg11[%get3A_47, %get3A_48] : memref<1000x1xi32, #tpu.memory_space<vmem>>, vector<1000x1xi32>
    %eq3A_50 = vector.broadcast %get3A_49 : vector<1000x1xi32> to vector<1000x128xi32>
    %eq3A_51 = arith.cmpi eq, %iota3A, %eq3A_50 : vector<1000x128xi32>
    %jit3A_52 = arith.constant 0.000000e+00 : f32
    %broadcast_in_dim3A_53 = vector.broadcast %jit3A_52 : f32 to vector<1000x128xf32>
    %select_n3A_54 = arith.select %eq3A_51, %select_n3A_37, %broadcast_in_dim3A_53 : vector<1000x128xi1>, vector<1000x128xf32>
    %reduce_sum3A_55 = arith.constant dense<0.000000e+00> : vector<1000xf32>
    %reduce_sum3A_56 = vector.multi_reduction <add>, %select_n3A_54, %reduce_sum3A_55 [1] : vector<1000x128xf32> to vector<1000xf32>
    %broadcast_in_dim3A_57 = vector.shape_cast %reduce_sum3A_56 : vector<1000xf32> to vector<1000x1xf32>
    %sub3A_58 = arith.subf %add3A_46, %broadcast_in_dim3A_57 : vector<1000x1xf32>
    %reduce_sum3A_59 = vector.shape_cast %sub3A_58 : vector<1000x1xf32> to vector<1x1000x1xf32>
    %reduce_sum3A_60 = arith.constant dense<0.000000e+00> : vector<1xf32>
    %reduce_sum3A_61 = vector.multi_reduction <add>, %reduce_sum3A_59, %reduce_sum3A_60 [1, 2] : vector<1x1000x1xf32> to vector<1xf32>
    %reduce_sum3A_62 = vector.shape_cast %reduce_sum3A_61 : vector<1xf32> to vector<1x1x1xf32>
    %reduce_sum3A_63 = vector.extract %reduce_sum3A_62[0, 0, 0] : f32 from vector<1x1x1xf32>
    %get3A_64 = arith.constant 0 : index
    %get3A_65 = arith.constant 0 : index
    %get3A_66 = vector.load %arg1[%get3A_64, %get3A_65] : memref<1000x128xf32, #tpu.memory_space<vmem>>, vector<1000x128xf32>
    %get3A_67 = arith.constant 0 : index
    %get3A_68 = arith.constant 0 : index
    %get3A_69 = vector.load %arg2[%get3A_67, %get3A_68] : memref<1000x1xf32, #tpu.memory_space<vmem>>, vector<1000x1xf32>
    %max3A_70 = arith.constant 1.000000e+00 : f32
    %max3A_71 = vector.broadcast %max3A_70 : f32 to vector<1000x1xf32>
    %max3A_72 = arith.maximumf %get3A_69, %max3A_71 : vector<1000x1xf32>
    %div3A_73 = vector.broadcast %max3A_72 : vector<1000x1xf32> to vector<1000x128xf32>
    %div3A_74 = arith.divf %get3A_66, %div3A_73 : vector<1000x128xf32>
    %get3A_75 = arith.constant 0 : index
    %get3A_76 = arith.constant 0 : index
    %get3A_77 = vector.load %arg12[%get3A_75, %get3A_76] : memref<128x128xf32, #tpu.memory_space<vmem>>, vector<128x128xf32>
    %dot_general3A_78 = arith.constant dense<0.000000e+00> : vector<1000x128xf32>
    %dot_general3A_79 = tpu.matmul %div3A_74, %get3A_77, %dot_general3A_78 {dimension_numbers = #tpu.dot_dimension_numbers<[1], [0], [0], [1], [0, 0, 1, 1], [], []>, transpose_lhs_hint = false} : vector<1000x128xf32>, vector<128x128xf32>, vector<1000x128xf32> -> vector<1000x128xf32>
    %get3A_80 = arith.constant 0 : index
    %get3A_81 = arith.constant 0 : index
    %get3A_82 = vector.load %arg13[%get3A_80, %get3A_81] : memref<1x128xf32, #tpu.memory_space<vmem>>, vector<1x128xf32>
    %add3A_83 = vector.broadcast %get3A_82 : vector<1x128xf32> to vector<1000x128xf32>
    %add3A_84 = arith.addf %dot_general3A_79, %add3A_83 : vector<1000x128xf32>
    %get3A_85 = arith.constant 0 : index
    %get3A_86 = arith.constant 0 : index
    %get3A_87 = vector.load %arg12[%get3A_85, %get3A_86] : memref<128x128xf32, #tpu.memory_space<vmem>>, vector<128x128xf32>
    %dot_general3A_88 = arith.constant dense<0.000000e+00> : vector<1000x128xf32>
    %dot_general3A_89 = tpu.matmul %div3A_24, %get3A_87, %dot_general3A_88 {dimension_numbers = #tpu.dot_dimension_numbers<[1], [0], [0], [1], [0, 0, 1, 1], [], []>, transpose_lhs_hint = false} : vector<1000x128xf32>, vector<128x128xf32>, vector<1000x128xf32> -> vector<1000x128xf32>
    %get3A_90 = arith.constant 0 : index
    %get3A_91 = arith.constant 0 : index
    %get3A_92 = vector.load %arg13[%get3A_90, %get3A_91] : memref<1x128xf32, #tpu.memory_space<vmem>>, vector<1x128xf32>
    %add3A_93 = vector.broadcast %get3A_92 : vector<1x128xf32> to vector<1000x128xf32>
    %add3A_94 = arith.addf %dot_general3A_89, %add3A_93 : vector<1000x128xf32>
    %get3A_95 = arith.constant 0 : index
    %get3A_96 = arith.constant 0 : index
    %get3A_97 = vector.load %arg9[%get3A_95, %get3A_96] : memref<1000x128xf32, #tpu.memory_space<vmem>>, vector<1000x128xf32>
    %mul3A = arith.mulf %add3A_84, %add3A_84 : vector<1000x128xf32>
    %reduce_sum3A_98 = arith.constant dense<0.000000e+00> : vector<1000xf32>
    %reduce_sum3A_99 = vector.multi_reduction <add>, %mul3A, %reduce_sum3A_98 [1] : vector<1000x128xf32> to vector<1000xf32>
    %broadcast_in_dim3A_100 = vector.shape_cast %reduce_sum3A_99 : vector<1000xf32> to vector<1000x1xf32>
    %sqrt3A = math.sqrt %broadcast_in_dim3A_100 : vector<1000x1xf32>
    %add3A_101 = arith.constant 9.99999993E-9 : f32
    %add3A_102 = vector.broadcast %add3A_101 : f32 to vector<1000x1xf32>
    %add3A_103 = arith.addf %sqrt3A, %add3A_102 : vector<1000x1xf32>
    %div3A_104 = vector.broadcast %add3A_103 : vector<1000x1xf32> to vector<1000x128xf32>
    %div3A_105 = arith.divf %add3A_84, %div3A_104 : vector<1000x128xf32>
    %mul3A_106 = arith.mulf %get3A_97, %get3A_97 : vector<1000x128xf32>
    %reduce_sum3A_107 = arith.constant dense<0.000000e+00> : vector<1000xf32>
    %reduce_sum3A_108 = vector.multi_reduction <add>, %mul3A_106, %reduce_sum3A_107 [1] : vector<1000x128xf32> to vector<1000xf32>
    %broadcast_in_dim3A_109 = vector.shape_cast %reduce_sum3A_108 : vector<1000xf32> to vector<1000x1xf32>
    %sqrt3A_110 = math.sqrt %broadcast_in_dim3A_109 : vector<1000x1xf32>
    %add3A_111 = arith.constant 9.99999993E-9 : f32
    %add3A_112 = vector.broadcast %add3A_111 : f32 to vector<1000x1xf32>
    %add3A_113 = arith.addf %sqrt3A_110, %add3A_112 : vector<1000x1xf32>
    %div3A_114 = vector.broadcast %add3A_113 : vector<1000x1xf32> to vector<1000x128xf32>
    %div3A_115 = arith.divf %get3A_97, %div3A_114 : vector<1000x128xf32>
    %mul3A_116 = arith.mulf %div3A_105, %div3A_115 : vector<1000x128xf32>
    %reduce_sum3A_117 = arith.constant dense<0.000000e+00> : vector<1000xf32>
    %reduce_sum3A_118 = vector.multi_reduction <add>, %mul3A_116, %reduce_sum3A_117 [1] : vector<1000x128xf32> to vector<1000xf32>
    %broadcast_in_dim3A_119 = vector.shape_cast %reduce_sum3A_118 : vector<1000xf32> to vector<1000x1xf32>
    %sub3A_120 = arith.constant 1.000000e+00 : f32
    %sub3A_121 = vector.broadcast %sub3A_120 : f32 to vector<1000x1xf32>
    %sub3A_122 = arith.subf %sub3A_121, %broadcast_in_dim3A_119 : vector<1000x1xf32>
    %mul3A_123 = arith.mulf %sub3A_122, %sub3A_122 : vector<1000x1xf32>
    %reduce_sum3A_124 = vector.shape_cast %mul3A_123 : vector<1000x1xf32> to vector<1x1000x1xf32>
    %reduce_sum3A_125 = arith.constant dense<0.000000e+00> : vector<1xf32>
    %reduce_sum3A_126 = vector.multi_reduction <add>, %reduce_sum3A_124, %reduce_sum3A_125 [1, 2] : vector<1x1000x1xf32> to vector<1xf32>
    %reduce_sum3A_127 = vector.shape_cast %reduce_sum3A_126 : vector<1xf32> to vector<1x1x1xf32>
    %reduce_sum3A_128 = vector.extract %reduce_sum3A_127[0, 0, 0] : f32 from vector<1x1x1xf32>
    %get3A_129 = arith.constant 0 : index
    %get3A_130 = arith.constant 0 : index
    %get3A_131 = vector.load %arg10[%get3A_129, %get3A_130] : memref<1000x128xf32, #tpu.memory_space<vmem>>, vector<1000x128xf32>
    %mul3A_132 = arith.mulf %add3A_94, %add3A_94 : vector<1000x128xf32>
    %reduce_sum3A_133 = arith.constant dense<0.000000e+00> : vector<1000xf32>
    %reduce_sum3A_134 = vector.multi_reduction <add>, %mul3A_132, %reduce_sum3A_133 [1] : vector<1000x128xf32> to vector<1000xf32>
    %broadcast_in_dim3A_135 = vector.shape_cast %reduce_sum3A_134 : vector<1000xf32> to vector<1000x1xf32>
    %sqrt3A_136 = math.sqrt %broadcast_in_dim3A_135 : vector<1000x1xf32>
    %add3A_137 = arith.constant 9.99999993E-9 : f32
    %add3A_138 = vector.broadcast %add3A_137 : f32 to vector<1000x1xf32>
    %add3A_139 = arith.addf %sqrt3A_136, %add3A_138 : vector<1000x1xf32>
    %div3A_140 = vector.broadcast %add3A_139 : vector<1000x1xf32> to vector<1000x128xf32>
    %div3A_141 = arith.divf %add3A_94, %div3A_140 : vector<1000x128xf32>
    %mul3A_142 = arith.mulf %get3A_131, %get3A_131 : vector<1000x128xf32>
    %reduce_sum3A_143 = arith.constant dense<0.000000e+00> : vector<1000xf32>
    %reduce_sum3A_144 = vector.multi_reduction <add>, %mul3A_142, %reduce_sum3A_143 [1] : vector<1000x128xf32> to vector<1000xf32>
    %broadcast_in_dim3A_145 = vector.shape_cast %reduce_sum3A_144 : vector<1000xf32> to vector<1000x1xf32>
    %sqrt3A_146 = math.sqrt %broadcast_in_dim3A_145 : vector<1000x1xf32>
    %add3A_147 = arith.constant 9.99999993E-9 : f32
    %add3A_148 = vector.broadcast %add3A_147 : f32 to vector<1000x1xf32>
    %add3A_149 = arith.addf %sqrt3A_146, %add3A_148 : vector<1000x1xf32>
    %div3A_150 = vector.broadcast %add3A_149 : vector<1000x1xf32> to vector<1000x128xf32>
    %div3A_151 = arith.divf %get3A_131, %div3A_150 : vector<1000x128xf32>
    %mul3A_152 = arith.mulf %div3A_141, %div3A_151 : vector<1000x128xf32>
    %reduce_sum3A_153 = arith.constant dense<0.000000e+00> : vector<1000xf32>
    %reduce_sum3A_154 = vector.multi_reduction <add>, %mul3A_152, %reduce_sum3A_153 [1] : vector<1000x128xf32> to vector<1000xf32>
    %broadcast_in_dim3A_155 = vector.shape_cast %reduce_sum3A_154 : vector<1000xf32> to vector<1000x1xf32>
    %sub3A_156 = arith.constant 1.000000e+00 : f32
    %sub3A_157 = vector.broadcast %sub3A_156 : f32 to vector<1000x1xf32>
    %sub3A_158 = arith.subf %sub3A_157, %broadcast_in_dim3A_155 : vector<1000x1xf32>
    %mul3A_159 = arith.mulf %sub3A_158, %sub3A_158 : vector<1000x1xf32>
    %reduce_sum3A_160 = vector.shape_cast %mul3A_159 : vector<1000x1xf32> to vector<1x1000x1xf32>
    %reduce_sum3A_161 = arith.constant dense<0.000000e+00> : vector<1xf32>
    %reduce_sum3A_162 = vector.multi_reduction <add>, %reduce_sum3A_160, %reduce_sum3A_161 [1, 2] : vector<1x1000x1xf32> to vector<1xf32>
    %reduce_sum3A_163 = vector.shape_cast %reduce_sum3A_162 : vector<1xf32> to vector<1x1x1xf32>
    %reduce_sum3A_164 = vector.extract %reduce_sum3A_163[0, 0, 0] : f32 from vector<1x1x1xf32>
    %add3A_165 = arith.addf %reduce_sum3A_128, %reduce_sum3A_164 : f32
    %lt3A_166 = arith.constant 3 : i32
    %lt3A_167 = arith.cmpi slt, %arg0, %lt3A_166 : i32
    %jit3A_168 = arith.constant 1.000000e+00 : f32
    %jit3A_169 = arith.constant 0.000000e+00 : f32
    %select_n3A_170 = arith.select %lt3A_167, %jit3A_168, %jit3A_169 : f32
    %div3A_171 = arith.constant 1.000000e+04 : f32
    %div3A_172 = arith.divf %reduce_sum3A_63, %div3A_171 : f32
    %mul3A_173 = arith.mulf %select_n3A_170, %add3A_165 : f32
    %div3A_174 = arith.constant 3.000000e+03 : f32
    %div3A_175 = arith.divf %mul3A_173, %div3A_174 : f32
    %add3A_176 = arith.addf %div3A_172, %div3A_175 : f32
    %get3A_177 = arith.constant 0 : index
    %get3A_178 = arith.constant 0 : index
    %get3A_179 = vector.load %arg16[%get3A_177, %get3A_178] : memref<1x1xf32, #tpu.memory_space<vmem>>, vector<1x1xf32>
    %reshape3A = vector.broadcast %add3A_176 : f32 to vector<1x1xf32>
    %add3A_180 = arith.addf %get3A_179, %reshape3A : vector<1x1xf32>
    %swap3A = arith.constant 0 : index
    %swap3A_181 = arith.constant 0 : index
    %swap3A_182 = vector.load %arg16[%swap3A, %swap3A_181] : memref<1x1xf32, #tpu.memory_space<vmem>>, vector<1x1xf32>
    tpu.vector_store %arg16[%swap3A, %swap3A_181], %add3A_180 {strides = array<i32>} : memref<1x1xf32, #tpu.memory_space<vmem>>, vector<1x1xf32>,
    return
  }
  func.func @transform_0(%arg0: i32) -> (i32, i32) {
    %min3A = arith.constant 2 : i32
    %min3A_0 = arith.minsi %arg0, %min3A : i32
    %c0_i32 = arith.constant 0 : i32
    %c0_i32_1 = arith.constant 0 : i32
    return %min3A_0, %c0_i32 : i32, i32
  }
  func.func @transform_1(%arg0: i32) -> (i32, i32) {
    %min3A = arith.constant 2 : i32
    %min3A_0 = arith.minsi %arg0, %min3A : i32
    %c0_i32 = arith.constant 0 : i32
    %c0_i32_1 = arith.constant 0 : i32
    return %min3A_0, %c0_i32 : i32, i32
  }
  func.func @transform_2(%arg0: i32) -> (i32, i32) {
    %min3A = arith.constant 4 : i32
    %min3A_0 = arith.minsi %arg0, %min3A : i32
    %c0_i32 = arith.constant 0 : i32
    %c0_i32_1 = arith.constant 0 : i32
    return %min3A_0, %c0_i32 : i32, i32
  }
  func.func @transform_3(%arg0: i32) -> (i32, i32) {
    %min3A = arith.constant 4 : i32
    %min3A_0 = arith.minsi %arg0, %min3A : i32
    %c0_i32 = arith.constant 0 : i32
    %c0_i32_1 = arith.constant 0 : i32
    return %min3A_0, %c0_i32 : i32, i32
  }
  func.func @transform_4(%arg0: i32) -> (i32, i32) {
    %sub3A = arith.constant 5 : i32
    %sub3A_0 = arith.subi %arg0, %sub3A : i32
    %max3A = arith.constant 0 : i32
    %max3A_1 = arith.maxsi %sub3A_0, %max3A : i32
    %c0_i32 = arith.constant 0 : i32
    %c0_i32_2 = arith.constant 0 : i32
    return %max3A_1, %c0_i32 : i32, i32
  }
  func.func @transform_5(%arg0: i32) -> (i32, i32) {
    %sub3A = arith.constant 5 : i32
    %sub3A_0 = arith.subi %arg0, %sub3A : i32
    %max3A = arith.constant 0 : i32
    %max3A_1 = arith.maxsi %sub3A_0, %max3A : i32
    %c0_i32 = arith.constant 0 : i32
    %c0_i32_2 = arith.constant 0 : i32
    return %max3A_1, %c0_i32 : i32, i32
  }
  func.func @transform_6(%arg0: i32) -> (i32, i32) {
    %sub3A = arith.constant 5 : i32
    %sub3A_0 = arith.subi %arg0, %sub3A : i32
    %max3A = arith.constant 0 : i32
    %max3A_1 = arith.maxsi %sub3A_0, %max3A : i32
    %c0_i32 = arith.constant 0 : i32
    %c0_i32_2 = arith.constant 0 : i32
    return %max3A_1, %c0_i32 : i32, i32
  }
  func.func @transform_7(%arg0: i32) -> (i32, i32) {
    %sub3A = arith.constant 5 : i32
    %sub3A_0 = arith.subi %arg0, %sub3A : i32
    %max3A = arith.constant 0 : i32
    %max3A_1 = arith.maxsi %sub3A_0, %max3A : i32
    %c0_i32 = arith.constant 0 : i32
    %c0_i32_2 = arith.constant 0 : i32
    return %max3A_1, %c0_i32 : i32, i32
  }
  func.func @transform_8(%arg0: i32) -> (i32, i32) {
    %min3A = arith.constant 2 : i32
    %min3A_0 = arith.minsi %arg0, %min3A : i32
    %c0_i32 = arith.constant 0 : i32
    %c0_i32_1 = arith.constant 0 : i32
    return %min3A_0, %c0_i32 : i32, i32
  }
  func.func @transform_9(%arg0: i32) -> (i32, i32) {
    %c0_i32 = arith.constant 0 : i32
    %c0_i32_0 = arith.constant 0 : i32
    return %arg0, %c0_i32 : i32, i32
  }
  func.func @transform_10(%arg0: i32) -> (i32, i32) {
    %c0_i32 = arith.constant 0 : i32
    %c0_i32_0 = arith.constant 0 : i32
    return %arg0, %c0_i32 : i32, i32
  }
  func.func @transform_11(%arg0: i32) -> (i32, i32) {
    %c0_i32 = arith.constant 0 : i32
    %c0_i32_0 = arith.constant 0 : i32
    %c0_i32_1 = arith.constant 0 : i32
    return %c0_i32, %c0_i32_0 : i32, i32
  }
  func.func @transform_12(%arg0: i32) -> (i32, i32) {
    %c0_i32 = arith.constant 0 : i32
    %c0_i32_0 = arith.constant 0 : i32
    %c0_i32_1 = arith.constant 0 : i32
    return %c0_i32, %c0_i32_0 : i32, i32
  }
  func.func @transform_13(%arg0: i32) -> (i32, i32) {
    %c0_i32 = arith.constant 0 : i32
    %c0_i32_0 = arith.constant 0 : i32
    %c0_i32_1 = arith.constant 0 : i32
    return %c0_i32, %c0_i32_0 : i32, i32
  }
  func.func @transform_14(%arg0: i32) -> (i32, i32) {
    %c0_i32 = arith.constant 0 : i32
    %c0_i32_0 = arith.constant 0 : i32
    %c0_i32_1 = arith.constant 0 : i32
    return %c0_i32, %c0_i32_0 : i32, i32
  }
  func.func @transform_15(%arg0: i32) -> (i32, i32) {
    %c0_i32 = arith.constant 0 : i32
    %c0_i32_0 = arith.constant 0 : i32
    %c0_i32_1 = arith.constant 0 : i32
    return %c0_i32, %c0_i32_0 : i32, i32
  }
}

</mosaic_0001>

<sc_bundles>
// kernel: kernel.5.cloned.1.call-start
scs
__scs_entry_jumppad:
0x0: {  	(pc) =	sbr.rel $0x88, $3  }
0x1: {  	(tag) =	ssettag $0x0;
	lr =	simm.s32 $0x1  }
0x2: {  	[smem:$0x3F96] =	sst lr;
	_ =	strace $0xD0000000  }
0x3: {  	_ = 	snop  }
0x4: {  	_ = 	snop  }
0x5: {  	_ = 	snop  }
0x6: {  	_ = 	snop  }
0x7: {  	_ = 	snop  }
__scs_overlays_trampoline_lowered:
0x8: {  	[smem:$0x3FA5] =	sst s0  }
0x9: {  	[smem:$0x3FA6] =	sst s1  }
0xa: {  	[smem:$0x3FA7] =	sst s2  }
0xb: {  	[smem:$0x3FA8] =	sst s3  }
0xc: {  	[smem:$0x3FA9] =	sst s4  }
0xd: {  	[smem:$0x3FAA] =	sst s5  }
0xe: {  	[smem:$0x3FAB] =	sst s6  }
0xf: {  	[smem:$0x3FAC] =	sst s7  }
0x10: {  	[smem:$0x3FAD] =	sst s8  }
0x11: {  	[smem:$0x3FAE] =	sst s9;
	s0 =	simm.s32 @!p0 $0x0  }
0x12: {  	s1 =	sld [smem:$0x3F94];
	s0 =	simm.s32 @p0 $0x1  }
0x13: {  	[smem:$0x3FAF] =	sst s0;
	s0 =	simm.s32 @!p1 $0x0  }
0x14: {  	s2 =	sld [smem:$0x3F93];
	s0 =	simm.s32 @p1 $0x1  }
0x15: {  	[smem:$0x3FB0] =	sst s0;
	s0 =	simm.s32 @!p2 $0x0  }
0x16: {  	s3 =	sld [smem:$0x3FDB];
	s0 =	simm.s32 @p2 $0x1  }
0x17: {  	s4 =	simm.s32 $0x1BF5;
	[smem:$0x3FB2] =	sst s0  }
0x18: {  	s0 =	sld [smem:$0x3F95];
	_ =	swait.ge [sflag:s4], $0x0  }
0x19: {  	s7 =	sld [smem:$0x3F96]  }
0x1a: {  	s8 =	sadd.s32 $0xFFFFE003, lr  }
0x1b: {  	s9 =	sadd.s32 $0xFFFFFEF7, lr;
	s5 =	simm.s32 $0xFFFFFFFF;
	p2 =	slt.u32 s8, $0xFFFFF086  }
0x1c: {  	p1 =	slt.u32 s9, $0xF7A;
	s5 =	simm.s32 @!p2 $0x0  }
0x1d: {  	s5 =	simm.s32 @p1 $0x1;
	p0 =	seq.s32 s7, s2  }
0x1e: {  	s7 =	smul.u32 @!p0 $0xF7A, s2;
	p2 =	seq.s32 @!p0 s5, $0x0  }
0x1f: {  	s9 =	smul.u32 $0xF7A, s1;
	s8 =	simm.s32 @!p0 $0x1BF5;
	p2 =	por !p2, p0  }
0x20: {  	[sflag:s8] =	ssyncset.s32 @!p0 $0xFFFFF086;
	s6 =	sadd.s32 @!p0 s3, s7;
	s7 =	simm.s32 @!p0 $0x108  }
0x21: {  	s3 =	sadd.s32 s3, s9;
	s6 =	sadd.s32 @!p0 $0x88, s6;
	s7 =	simm.s32 @p2 $0x1082  }
0x22: {  	[simem:s7], [sflag:s8] =	dma.local @!p0 [hbm:s6], $0xF7A  }
0x23: {  	s9 =	sor.u32 $0xD0000000, s2;
	s6 =	simm.s32 $0x108;
	_ =	swait.ge @!p0 [sflag:s8], $0x0  }
0x24: {  	s3 =	sadd.s32 $0x88, s3;
	s6 =	simm.s32 @!p1 $0x1082;
	[sflag:s4] =	ssyncset.s32 $0xFFFFF086  }
0x25: {  	[simem:s6], [sflag:s4] =	dma.local [hbm:s3], $0xF7A  }
0x26: {  	[smem:$0x3F96] =	sst s1;
	(tag) =	ssettag s2;
	_ =	strace s9  }
0x27: {  	s1 =	sld [smem:$0x3FA6]  }
0x28: {  	s2 =	sld [smem:$0x3FA7]  }
0x29: {  	s4 =	sld [smem:$0x3FA9]  }
0x2a: {  	p0 =	seq.s32 s5, $0x0;
	s5 =	sld [smem:$0x3FAA]  }
0x2b: {  	s6 =	sld [smem:$0x3FAB]  }
0x2c: {  	s7 =	sld [smem:$0x3FAC]  }
0x2d: {  	s3 =	simm.s32 $0x108;
	s8 =	sld [smem:$0x3FAD]  }
0x2e: {  	s3 =	simm.s32 @!p0 $0x1082;
	s9 =	sld [smem:$0x3FAE]  }
0x2f: {  	lr =	sadd.s32 s0, s3;
	s0 =	sld [smem:$0x3FA5]  }
0x30: {  	s3 =	sld [smem:$0x3FA8]  }
0x31: {  	[smem:$0x3FB1] =	sst s10  }
0x32: {  	s10 =	sld [smem:$0x3FAF];
	_ =	sdelay $0x3  }
0x33: {  	p0 =	seq.s32 s10, $0x1;
	s10 =	sld [smem:$0x3FB1];
	_ =	sdelay $0x3  }
0x34: {  	[smem:$0x3FB1] =	sst s10  }
0x35: {  	s10 =	sld [smem:$0x3FB0];
	_ =	sdelay $0x3  }
0x36: {  	p1 =	seq.s32 s10, $0x1;
	s10 =	sld [smem:$0x3FB1];
	_ =	sdelay $0x3  }
0x37: {  	[smem:$0x3FB1] =	sst s10  }
0x38: {  	s10 =	sld [smem:$0x3FB2]  }
0x39: {  	_ = 	snop;
	(pc) =	sbr.ind lr, $3  }
0x3a: {  	_ = 	snop  }
0x3b: {  	_ = 	snop  }
0x3c: {  	p2 =	seq.s32 s10, $0x1;
	s10 =	sld [smem:$0x3FB1]  }
0x3d: {  	_ =	shalt  }
0x3e: {  	_ =	shalt  }
0x3f: {  	_ =	shalt  }
0x40: {  	_ =	shalt  }
0x41: {  	_ =	shalt  }
0x42: {  	_ =	shalt  }
0x43: {  	_ =	shalt  }
0x44: {  	_ =	shalt  }
0x45: {  	_ =	shalt  }
0x46: {  	_ =	shalt  }
0x47: {  	_ =	shalt  }
0x48: {  	_ =	shalt  }
0x49: {  	_ =	shalt  }
0x4a: {  	_ =	shalt  }
0x4b: {  	_ =	shalt  }
0x4c: {  	_ =	shalt  }
0x4d: {  	_ =	shalt  }
0x4e: {  	_ =	shalt  }
0x4f: {  	_ =	shalt  }
0x50: {  	_ =	shalt  }
0x51: {  	_ =	shalt  }
0x52: {  	_ =	shalt  }
0x53: {  	_ =	shalt  }
0x54: {  	_ =	shalt  }
0x55: {  	_ =	shalt  }
0x56: {  	_ =	shalt  }
0x57: {  	_ =	shalt  }
0x58: {  	_ =	shalt  }
0x59: {  	_ =	shalt  }
0x5a: {  	_ =	shalt  }
0x5b: {  	_ =	shalt  }
0x5c: {  	_ =	shalt  }
0x5d: {  	_ =	shalt  }
0x5e: {  	_ =	shalt  }
0x5f: {  	_ =	shalt  }
0x60: {  	_ =	shalt  }
0x61: {  	_ =	shalt  }
0x62: {  	_ =	shalt  }
0x63: {  	_ =	shalt  }
0x64: {  	_ =	shalt  }
0x65: {  	_ =	shalt  }
0x66: {  	_ =	shalt  }
0x67: {  	_ =	shalt  }
0x68: {  	_ =	shalt  }
0x69: {  	_ =	shalt  }
0x6a: {  	_ =	shalt  }
0x6b: {  	_ =	shalt  }
0x6c: {  	_ =	shalt  }
0x6d: {  	_ =	shalt  }
0x6e: {  	_ =	shalt  }
0x6f: {  	_ =	shalt  }
0x70: {  	_ =	shalt  }
0x71: {  	_ =	shalt  }
0x72: {  	_ =	shalt  }
0x73: {  	_ =	shalt  }
0x74: {  	_ =	shalt  }
0x75: {  	_ =	shalt  }
0x76: {  	_ =	shalt  }
0x77: {  	_ =	shalt  }
0x78: {  	_ =	shalt  }
0x79: {  	_ =	shalt  }
0x7a: {  	_ =	shalt  }
0x7b: {  	_ =	shalt  }
0x7c: {  	_ =	shalt  }
0x7d: {  	_ =	shalt  }
0x7e: {  	_ =	shalt  }
0x7f: {  	_ =	shalt  }
0x80: {  	_ =	shalt  }
0x81: {  	_ =	shalt  }
0x82: {  	_ =	shalt  }
0x83: {  	_ =	shalt  }
0x84: {  	_ =	shalt  }
0x85: {  	_ =	shalt  }
0x86: {  	_ =	shalt  }
0x87: {  	_ =	shalt  }
.Lfunc_end0:
.L_simem_size_0:
called_computation_lowered:
.L_overlay_start_0:
0x88: {  	s2 =	sld [smem:$0x3FD9]  }
0x89: {  	s3 =	sld [smem:$0x3FFE];
	_ =	sdelay $0x1  }
0x8a: {  	s1 =	srdreg.scid  }
0x8b: {  	s0 =	sand.u32 $0x1, s1  }
0x8c: {  	s16 =	sshll.u32 s0, $0xA;
	s2 =	sadd.s32 s3, s2  }
0x8d: {  	s2 =	sadd.s32 s2, s16  }
0x8e: {  	[smem:$0x3FBD] =	sst s2  }
0x8f: {  	_ = 	snop  }
0x90: {  	(tm) =	ssettm $0x1  }
0x91: {  	s17 =	sld [smem:$0x3FFB];
	_ =	sdelay $0x3  }
0x92: {  	_ =	strace s17  }
0x93: {  	s2 =	sld [smem:$0x3FFC];
	_ =	sdelay $0x3  }
0x94: {  	_ =	strace s2  }
0x95: {  	s2 =	sld [smem:$0x3FFD];
	_ =	sdelay $0x3  }
0x96: {  	_ =	strace s2  }
0x97: {  	_ =	strace $0x8FFFFFFF  }
0x98: {  	s18 =	sld [smem:$0x3FDB];
	_ =	sdelay $0x1  }
0x99: {  	s19 =	simm.s32 $_scs_section_size  }
0x9a: {  	s4 =	simm.s32 $_size__tile_overlayer_lowered;
	s5 =	simm.s32 $_tile_overlayer_lowered  }
0x9b: {  	s22 =	simm.s32 $0x1BFF;
	s21 =	sshll.u32 s5, $0x1;
	s2 =	sadd.s32 s19, s18  }
0x9c: {  	s6 =	simm.s32 $0x0;
	s20 =	sshll.u32 s4, $0x1;
	s4 =	sadd.s32 s21, s2  }
0x9d: {  	[timem:s6], [sflag:s22] =	dma.local [hbm:s4], s20  }
0x9e: {  	_ =	swait.ge [sflag:s22], s20  }
0x9f: {  	s3 =	ssub.s32 $0x0, s20;
	[sflag:s22] =	ssyncset.done $0x0  }
0xa0: {  	[sflag:s22] =	ssyncadd.s32 s3;
	_ =	sdelay $0x1  }
0xa1: {  	s23 =	simm.s32 $0x1B8B  }
0xa2: {  	_ =	swait.ge [sflag:s23], $0x1  }
0xa3: {  	[sflag:s23] =	ssyncset.done $0x0  }
0xa4: {  	s25 =	simm.s32 $0x1B8E;
	s24 =	sld [smem:$0x3FFE];
	[sflag:s23] =	ssyncadd.s32 $0xFFFFFFFF  }
0xa5: {  	s26 =	simm.s32 $execute0_lowered;
	[smem:$0x3FD2] =	sst s25  }
0xa6: {  	s4 =	sshll.u32 s26, $0x1;
	_ =	strace $0x80000046;
	[dreg:$0x1] =	wrdreg $0xFFFFFFFF  }
0xa7: {  	s28 =	simm.s32 $_size_execute0_lowered;
	s2 =	sadd.s32 s2, s4;
	[dreg:$0x0] =	wrdreg $0x0  }
0xa8: {  	s4 =	sshll.u32 s28, $0x1;
	[dreg:$0x2] =	wrdreg s2  }
0xa9: {  	[dreg:$0x3] =	wrdreg s4  }
0xaa: {  	[dreg:$0x4] =	wrdreg $0xC0  }
0xab: {  	_ =	task [dreg:s6], $0x5FFFF  }
0xac: {  	[dreg:$0x1] =	wrdreg $0xFFFFFFFF  }
0xad: {  	[dreg:$0x0] =	wrdreg $0x60  }
0xae: {  	[dreg:$0x2] =	wrdreg s24  }
0xaf: {  	[dreg:$0x3] =	wrdreg $0x124800  }
0xb0: {  	[dreg:$0x4] =	wrdreg $0x1C4800  }
0xb1: {  	[dreg:$0x5] =	wrdreg $0x9  }
0xb2: {  	_ =	task.clear_ibuf [dreg:s6], $0x6FFFF;
	_ =	strace $0x90000046  }
0xb3: {  	s29 =	simm.s32 $0x9;
	_ =	strace $0x80000048  }
0xb4: {  	_ =	swait.ge [sflag:s29], $0x1  }
0xb5: {  	[sflag:s29] =	ssyncadd.s32 $0xFFFFFFFF  }
0xb6: {  	_ =	strace $0x90000048  }
0xb7: {  	_ =	sfence  }
0xb8: {  	s30 =	sld [smem:$0x0];
	_ =	sdelay $0x2  }
0xb9: {  	s31 =	sshll.u32 s1, $0xD;
	s1 =	sshrl.u32 s1, $0x2  }
0xba: {  	s3 =	sand.u32 $0x4000, s31;
	s1 =	sadd.s32 s1, s30  }
0xbb: {  	s0 =	sor.u32 s3, s0;
	s1 =	sshll.u32 s1, $0x11  }
0xbc: {  	s0 =	sor.u32 s1, s0  }
0xbd: {  	s0 =	sadd.s32 $0x8F2B, s0  }
0xbe: {  	[sflag:s0] =	ssyncadd.remote.s32 $0x1  }
0xbf: {  	_ =	sfence.sel $0xFFFF  }
0xc0: {  	[dreg:$0x0] =	wrdreg $0xFFFFFFFF;
	(pc) =	sbr.abs _section_cstart, $3  }
0xc1: {  	[dreg:$0x1] =	wrdreg $0xFFFFFFFF  }
0xc2: {  	_ =	task.clear_ibuf [dreg:s6], $0x2FFFF;
	_ =	strace $0x9FFFFFFF  }
0xc3: {  	(tm) =	ssettm $0x7FFFFFFF  }
tec
execute0_lowered:
.L_overlay_start_1:
0x0: {  	(tag) =	ssettag $0x1  }
0x1: {  	s0 =	rddreg [dreg:$0x0]  }
0x2: {  	s1 =	rddreg [dreg:$0x1]  }
0x3: {  	s2 =	rddreg [dreg:$0x2];
	s3 =	simm.s32 $0x0;
	s8 =	srdreg.scid  }
0x4: {  	s5 =	stileid.u32;
	s28 =	simm.s32 $0x1;
	s29 =	simm.s32 $0xE000  }
0x5: {  	s30 =	simm.s32 $0x2;
	s31 =	simm.s32 $0x100;
	s23 =	smul.u32 $0x50000, s5  }
0x6: {  	[smem:$0x7FF] =	sst s3;
	s4 =	sadd.s32 $0x3F800, s0;
	s15 =	smul.u32 $0xA0, s5  }
0x7: {  	s7 =	sadd.s32 $0x2AE00, s0;
	s10 =	sadd.s32 $0x1A00, s0;
	s25 =	smul.u32 $0x500, s5  }
0x8: {  	s6 =	sadd.s32 $0x8DA00, s0;
	s9 =	sadd.s32 $0x90200, s0;
	s16 =	smul.u32 $0x1F400, s5  }
0x9: {  	s11 =	sand.u32 $0x1, s8;
	s12 =	sadd.s32 $0x90E00, s0;
	s18 =	smul.u32 $0x7D000, s5  }
0xa: {  	s0 =	sadd.s32 $0x90400, s0;
	p0 =	sgt.u32 s5, $0x4;
	s13 =	smul.u32 $0xA00, s11  }
0xb: {  	p1 =	sgt.u32 s5, $0x7;
	_ =	strace $0x80000047;
	s26 =	smul.u32 $0x9C400, s11  }
0xc: {  	[dreg:$0x4] =	wrdreg s9;
	s24 =	ssub.s32 $0x2, s11;
	s20 =	smul.u32 $0x500, s11  }
0xd: {  	s21 =	smul.u32 $0x1388, s11;
	s11 =	sor.u32 $0x2, s11;
	s14 =	sshrl.u32 s24, $0x1  }
0xe: {  	s8 =	sshrl.u32 s23, $0x2;
	s9 =	sshrl.u32 s25, $0x2;
	s13 =	sadd.s32 s15, s13  }
0xf: {  	s22 =	smul.u32 $0x1388, s11;
	s14 =	ssub.s32 s24, s14;
	s13 =	sshll.u32 s13, $0x4  }
0x10: {  	s8 =	sadd.s32 s8, s1;
	s9 =	sadd.s32 s9, s2;
	s17 =	sadd.s32 s7, s13  }
0x11: {  	s19 =	sadd.s32 s16, s26;
	s13 =	sadd.s32 s10, s13;
	[dreg:$0x5] =	wrdreg s17  }
0x12: {  	s26 =	smax.u32 s14, $0x1;
	s14 =	simm.s32 $0x0;
	[dreg:$0x6] =	wrdreg s13  }
0x13: {  	s13 =	sshrl.u32 s19, $0x3;
	s17 =	sshrl.u32 s18, $0x2;
	s18 =	smul.u32 $0x50, s5  }
0x14: {  	[dreg:$0xd] =	wrdreg s26;
	s19 =	smul.u32 $0x3E8, s5;
	s13 =	sadd.s32 s12, s13  }
0x15: {  	s26 =	simm.s32 $0xA000;
	[dreg:$0x7] =	wrdreg s13;
	s13 =	sadd.s32 s17, s1  }
0x16: {  	s17 =	sadd.s32 $0xFFFFFFFB, s5;
	s15 =	sadd.s32 s18, s20;
	s19 =	sadd.s32 $0xFFFFEC78, s19  }
0x17: {  	s20 =	smul.u32 $0x9C400, s11;
	s15 =	sshll.u32 s15, $0x4;
	s18 =	sadd.s32 s21, s19  }
0x18: {  	s21 =	simm.s32 $0x12000;
	p2 =	slt.u32 s17, $0x5;
	s15 =	sadd.s32 $0xA000, s15  }
0x19: {  	s23 =	sshrl.u32 s18, $0x3;
	s24 =	sadd.s32 s16, s20;
	s16 =	simm.s32 $0x3  }
0x1a: {  	s7 =	sadd.s32 s7, s15;
	s10 =	sadd.s32 s15, s10;
	s15 =	sadd.s32 s19, s2  }
0x1b: {  	s11 =	sadd.s32 s0, s23;
	s25 =	sshrl.u32 s24, $0x3;
	[dreg:$0x8] =	wrdreg s7  }
0x1c: {  	s23 =	simm.s32 $0x12080;
	s24 =	simm.s32 $0x5000;
	[dreg:$0x9] =	wrdreg s11  }
0x1d: {  	s7 =	sadd.s32 s19, s22;
	s10 =	sadd.s32 $0x14A00, s10;
	s22 =	simm.s32 $0x4  }
0x1e: {  	s11 =	simm.s32 $0x7780;
	[dreg:$0xa] =	wrdreg s10;
	s7 =	sshrl.u32 s7, $0x3  }
0x1f: {  	s10 =	sadd.s32 s12, s25;
	s25 =	simm.s32 $0x80;
	s12 =	simm.s32 $0x9F00  }
0x20: {  	[dreg:$0xb] =	wrdreg s10;
	s0 =	sadd.s32 s0, s7;
	s7 =	simm.s32 $0x9F80  }
0x21: {  	v0 =	vimm.f32 $0.0e+00;
	s10 =	simm.s32 $0x7700;
	[dreg:$0xc] =	wrdreg s0;
	s0 =	simm.s32 $0x5080  }
.LBB2_1:
0x22: {  	s17 =	rddreg [dreg:$0x4]  }
0x23: {  	[tilespmem:s21], [sflag:$0x4] =	stream.linear.gather [hbm4b:s17+s3], $0x80, $0x38;
	[tilespmem:$0x1C5C0] =	vst v63  }
0x24: {  	_ =	swait.ge [sflag:s22], $0x80  }
0x25: {  	s17 =	sshll.u32 @!p1 s5, $0x6;
	[sflag:s22] =	ssyncset.done $0x0  }
0x26: {  	s18 =	sshrl.u32 @!p1 s8, $0x3;
	s17 =	sor.u32 @!p1 $0x1C04, s17;
	[sflag:s22] =	ssyncadd.s32 $0xFFFFFF80  }
0x27: {  	[spmem:s18], [sflag:s17] =	dma.local @!p1 [hbm:s6], $0x2800  }
0x28: {  	s17 =	simm.s32 @!p1 $0x4  }
0x29: {  	_ =	swait.ge @!p1 [sflag:s17], $0x2800  }
0x2a: {  	[sflag:s17] =	ssyncset.done @!p1 $0x0  }
0x2b: {  	[sflag:s17] =	ssyncadd.s32 @!p1 $0xFFFFD800  }
0x2c: {  	[tilespmem:$0x12080] =	vst v0  }
0x2d: {  	[tilespmem:$0x12090] =	vst v0  }
0x2e: {  	[tilespmem:$0x120A0] =	vst v0  }
0x2f: {  	[tilespmem:$0x120B0] =	vst v0  }
0x30: {  	[tilespmem:$0x120C0] =	vst v0  }
0x31: {  	[tilespmem:$0x120D0] =	vst v0  }
0x32: {  	[tilespmem:$0x120E0] =	vst v0  }
0x33: {  	[tilespmem:$0x120F0] =	vst v0  }
0x34: {  	[tilespmem:$0x12100] =	vst v0  }
0x35: {  	[tilespmem:$0x12110] =	vst v0  }
0x36: {  	[tilespmem:$0x12120] =	vst v0  }
0x37: {  	[tilespmem:$0x12130] =	vst v0  }
0x38: {  	[tilespmem:$0x12140] =	vst v0  }
0x39: {  	[tilespmem:$0x12150] =	vst v0  }
0x3a: {  	[tilespmem:$0x12160] =	vst v0  }
0x3b: {  	[tilespmem:$0x12170] =	vst v0  }
0x3c: {  	[tilespmem:$0x12180] =	vst v0  }
0x3d: {  	[tilespmem:$0x12190] =	vst v0  }
0x3e: {  	[tilespmem:$0x121A0] =	vst v0  }
0x3f: {  	[tilespmem:$0x121B0] =	vst v0  }
0x40: {  	[spmem:s9] =	stream.linear.scatter [tilespmem:s23], [sflag:$0x4], $0x140, $0x38;
	[tilespmem:$0x1C5C0] =	vst v63  }
0x41: {  	_ =	swait.ge [sflag:s22], $0x140  }
0x42: {  	[sflag:s22] =	ssyncset.done $0x0  }
0x43: {  	s19 =	rddreg [dreg:$0x5];
	[sflag:s22] =	ssyncadd.s32 $0xFFFFFEC0  }
0x44: {  	[tilespmem:s3], [sflag:$0x4] =	stream.linear.gather [hbm4b:s19+s3], $0x5000, $0x38;
	[tilespmem:$0x1C5C0] =	vst v63  }
0x45: {  	_ =	swait.ge [sflag:s22], $0x5000  }
0x46: {  	[sflag:s22] =	ssyncset.done $0x0  }
0x47: {  	s20 =	rddreg [dreg:$0x6];
	[sflag:s22] =	ssyncadd.s32 $0xFFFFB000  }
0x48: {  	[tilespmem:s24], [sflag:$0x4] =	stream.linear.gather [hbm4b:s20+s3], $0x5000, $0x38;
	[tilespmem:$0x1C5C0] =	vst v63  }
0x49: {  	_ =	swait.ge [sflag:s22], $0x5000  }
0x4a: {  	[sflag:s22] =	ssyncset.done $0x0  }
0x4b: {  	[sflag:s22] =	ssyncadd.s32 $0xFFFFB000  }
0x4c: {  	[bflag:$0x0] =	sbarrier.arrive $0xFFFF  }
0x4d: {  	[tilespmem:s26], [sflag:$0x1] =	stream.indirect.gather [hbm4b:s4+s25], $0x80, s3, s25, $0xb8;
	[tilespmem:$0x1C5C0] =	vst v63  }
0x4e: {  	_ =	swait.ge [sflag:s28], $0x4000  }
0x4f: {  	[sflag:s28] =	ssyncset.done $0x0  }
0x50: {  	[sflag:s28] =	ssyncadd.s32 $0xFFFFC000  }
0x51: {  	[tilespmem:s29], [sflag:$0x2] =	stream.indirect.gather [hbm4b:s4+s25], $0x80, s25, s25, $0xb8;
	[tilespmem:$0x1C5C0] =	vst v63  }
0x52: {  	_ = 	snop  }
0x53: {  	[spmem:s1] =	stream.indirect.scatter.add.f32 [tilespmem:s26], [sflag:$0x4], $0x80, s24, s25, $0xb8;
	[tilespmem:$0x1C5C0] =	vst v63  }
0x54: {  	_ =	swait.ge [sflag:s22], $0x4000  }
0x55: {  	[sflag:s22] =	ssyncset.done $0x0  }
0x56: {  	[sflag:s22] =	ssyncadd.s32 $0xFFFFC000  }
0x57: {  	[spmem:s2] =	stream.indirect.scatter.add.f32 [tilespmem:s21], [sflag:$0x3], $0x1, s24, s25, $0xb8;
	[tilespmem:$0x1C5C0] =	vst v63  }
0x58: {  	_ =	swait.ge [sflag:s30], $0x4000  }
0x59: {  	[sflag:s30] =	ssyncset.done $0x0  }
0x5a: {  	[sflag:s30] =	ssyncadd.s32 $0xFFFFC000  }
0x5b: {  	[tilespmem:s26], [sflag:$0x1] =	stream.indirect.gather [hbm4b:s4+s25], $0x80, s31, s25, $0xb8;
	[tilespmem:$0x1C5C0] =	vst v63  }
0x5c: {  	_ = 	snop  }
0x5d: {  	[spmem:s1] =	stream.indirect.scatter.add.f32 [tilespmem:s29], [sflag:$0x4], $0x80, s0, s25, $0xb8;
	[tilespmem:$0x1C5C0] =	vst v63  }
0x5e: {  	_ =	swait.ge [sflag:s22], $0x4000  }
0x5f: {  	[sflag:s22] =	ssyncset.done $0x0  }
0x60: {  	[sflag:s22] =	ssyncadd.s32 $0xFFFFC000  }
0x61: {  	_ =	swait.ge [sflag:s16], $0x80  }
0x62: {  	[sflag:s16] =	ssyncset.done $0x0  }
0x63: {  	[sflag:s16] =	ssyncadd.s32 $0xFFFFFF80  }
0x64: {  	[spmem:s2] =	stream.indirect.scatter.add.f32 [tilespmem:s21], [sflag:$0x3], $0x1, s0, s25, $0xb8;
	[tilespmem:$0x1C5C0] =	vst v63  }
0x65: {  	_ =	swait.ge [sflag:s28], $0x4000  }
0x66: {  	[sflag:s28] =	ssyncset.done $0x0  }
0x67: {  	s18 =	simm.s32 $0x180;
	[sflag:s28] =	ssyncadd.s32 $0xFFFFC000  }
0x68: {  	[tilespmem:s29], [sflag:$0x2] =	stream.indirect.gather [hbm4b:s4+s25], $0x80, s18, s25, $0xb8;
	[tilespmem:$0x1C5C0] =	vst v63  }
0x69: {  	s19 =	simm.s32 $0x5100  }
0x6a: {  	[spmem:s1] =	stream.indirect.scatter.add.f32 [tilespmem:s26], [sflag:$0x4], $0x80, s19, s25, $0xb8;
	[tilespmem:$0x1C5C0] =	vst v63  }
0x6b: {  	_ =	swait.ge [sflag:s22], $0x4000  }
0x6c: {  	[sflag:s22] =	ssyncset.done $0x0  }
0x6d: {  	[sflag:s22] =	ssyncadd.s32 $0xFFFFC000  }
0x6e: {  	_ =	swait.ge [sflag:s16], $0x80  }
0x6f: {  	[sflag:s16] =	ssyncset.done $0x0  }
0x70: {  	[sflag:s16] =	ssyncadd.s32 $0xFFFFFF80  }
0x71: {  	[spmem:s2] =	stream.indirect.scatter.add.f32 [tilespmem:s21], [sflag:$0x3], $0x1, s19, s25, $0xb8;
	[tilespmem:$0x1C5C0] =	vst v63  }
0x72: {  	_ =	swait.ge [sflag:s30], $0x4000  }
0x73: {  	[sflag:s30] =	ssyncset.done $0x0  }
0x74: {  	s20 =	simm.s32 $0x200;
	[sflag:s30] =	ssyncadd.s32 $0xFFFFC000  }
0x75: {  	[tilespmem:s26], [sflag:$0x1] =	stream.indirect.gather [hbm4b:s4+s25], $0x80, s20, s25, $0xb8;
	[tilespmem:$0x1C5C0] =	vst v63  }
0x76: {  	s18 =	simm.s32 $0x5180  }
0x77: {  	[spmem:s1] =	stream.indirect.scatter.add.f32 [tilespmem:s29], [sflag:$0x4], $0x80, s18, s25, $0xb8;
	[tilespmem:$0x1C5C0] =	vst v63  }
0x78: {  	_ =	swait.ge [sflag:s22], $0x4000  }
0x79: {  	[sflag:s22] =	ssyncset.done $0x0  }
0x7a: {  	[sflag:s22] =	ssyncadd.s32 $0xFFFFC000  }
0x7b: {  	_ =	swait.ge [sflag:s16], $0x80  }
0x7c: {  	[sflag:s16] =	ssyncset.done $0x0  }
0x7d: {  	s17 =	simm.s32 $0xFFFECC00;
	[sflag:s16] =	ssyncadd.s32 $0xFFFFFF80  }
.LBB2_2:
0x7e: {  	[spmem:s2] =	stream.indirect.scatter.add.f32 [tilespmem:s21], [sflag:$0x3], $0x1, s18, s25, $0xb8;
	[tilespmem:$0x1C5C0] =	vst v63  }
0x7f: {  	s18 =	smov.u32 s17  }
0x80: {  	p3 =	sne.s32 s17, $0xFFFFFC00;
	s17 =	sadd.s32 $0x400, s17;
	_ =	swait.ge [sflag:s28], $0x4000  }
0x81: {  	s18 =	sshra.s32 s18, $0x2;
	[sflag:s28] =	ssyncset.done $0x0  }
0x82: {  	s19 =	sadd.s32 $0x4F80, s18;
	[sflag:s28] =	ssyncadd.s32 $0xFFFFC000  }
0x83: {  	[tilespmem:s29], [sflag:$0x2] =	stream.indirect.gather [hbm4b:s4+s25], $0x80, s19, s25, $0xb8;
	[tilespmem:$0x1C5C0] =	vst v63  }
0x84: {  	s19 =	sadd.s32 $0x9F00, s18  }
0x85: {  	[spmem:s1] =	stream.indirect.scatter.add.f32 [tilespmem:s26], [sflag:$0x4], $0x80, s19, s25, $0xb8;
	[tilespmem:$0x1C5C0] =	vst v63  }
0x86: {  	_ =	swait.ge [sflag:s22], $0x4000  }
0x87: {  	[sflag:s22] =	ssyncset.done $0x0  }
0x88: {  	[sflag:s22] =	ssyncadd.s32 $0xFFFFC000  }
0x89: {  	_ =	swait.ge [sflag:s16], $0x80  }
0x8a: {  	[sflag:s16] =	ssyncset.done $0x0  }
0x8b: {  	[sflag:s16] =	ssyncadd.s32 $0xFFFFFF80  }
0x8c: {  	[spmem:s2] =	stream.indirect.scatter.add.f32 [tilespmem:s21], [sflag:$0x3], $0x1, s19, s25, $0xb8;
	[tilespmem:$0x1C5C0] =	vst v63  }
0x8d: {  	_ =	swait.ge [sflag:s30], $0x4000  }
0x8e: {  	[sflag:s30] =	ssyncset.done $0x0  }
0x8f: {  	s19 =	sadd.s32 $0x5000, s18;
	[sflag:s30] =	ssyncadd.s32 $0xFFFFC000  }
0x90: {  	[tilespmem:s26], [sflag:$0x1] =	stream.indirect.gather [hbm4b:s4+s25], $0x80, s19, s25, $0xb8;
	[tilespmem:$0x1C5C0] =	vst v63  }
0x91: {  	s18 =	sadd.s32 $0x9F80, s18  }
0x92: {  	[spmem:s1] =	stream.indirect.scatter.add.f32 [tilespmem:s29], [sflag:$0x4], $0x80, s18, s25, $0xb8;
	[tilespmem:$0x1C5C0] =	vst v63  }
0x93: {  	_ =	swait.ge [sflag:s22], $0x4000  }
.Ltmp0:
0x94: {  	[sflag:s22] =	ssyncset.done $0x0;
	(pc) =	sbr.rel @p3 .LBB2_2-.Ltmp0, $4  }
0x95: {  	[sflag:s22] =	ssyncadd.s32 $0xFFFFC000  }
0x96: {  	_ =	swait.ge [sflag:s16], $0x80  }
0x97: {  	[sflag:s16] =	ssyncset.done $0x0  }
0x98: {  	[sflag:s16] =	ssyncadd.s32 $0xFFFFFF80  }
0x99: {  	[spmem:s2] =	stream.indirect.scatter.add.f32 [tilespmem:s21], [sflag:$0x3], $0x1, s18, s25, $0xb8;
	[tilespmem:$0x1C5C0] =	vst v63  }
0x9a: {  	_ =	swait.ge [sflag:s28], $0x4000  }
0x9b: {  	[sflag:s28] =	ssyncset.done $0x0  }
0x9c: {  	s17 =	simm.s32 $0x4F80;
	[sflag:s28] =	ssyncadd.s32 $0xFFFFC000  }
0x9d: {  	[tilespmem:s29], [sflag:$0x2] =	stream.indirect.gather [hbm4b:s4+s25], $0x80, s17, s25, $0xb8;
	[tilespmem:$0x1C5C0] =	vst v63  }
0x9e: {  	_ = 	snop  }
0x9f: {  	[spmem:s1] =	stream.indirect.scatter.add.f32 [tilespmem:s26], [sflag:$0x4], $0x80, s12, s25, $0xb8;
	[tilespmem:$0x1C5C0] =	vst v63  }
0xa0: {  	_ =	swait.ge [sflag:s22], $0x4000  }
0xa1: {  	[sflag:s22] =	ssyncset.done $0x0  }
0xa2: {  	[sflag:s22] =	ssyncadd.s32 $0xFFFFC000  }
0xa3: {  	_ =	swait.ge [sflag:s16], $0x80  }
0xa4: {  	[sflag:s16] =	ssyncset.done $0x0  }
0xa5: {  	[sflag:s16] =	ssyncadd.s32 $0xFFFFFF80  }
0xa6: {  	[spmem:s2] =	stream.indirect.scatter.add.f32 [tilespmem:s21], [sflag:$0x3], $0x1, s12, s25, $0xb8;
	[tilespmem:$0x1C5C0] =	vst v63  }
0xa7: {  	_ =	swait.ge [sflag:s30], $0x4000  }
0xa8: {  	[sflag:s30] =	ssyncset.done $0x0  }
0xa9: {  	[sflag:s30] =	ssyncadd.s32 $0xFFFFC000  }
0xaa: {  	[spmem:s1] =	stream.indirect.scatter.add.f32 [tilespmem:s29], [sflag:$0x4], $0x80, s7, s25, $0xb8;
	[tilespmem:$0x1C5C0] =	vst v63  }
0xab: {  	_ =	swait.ge [sflag:s22], $0x4000  }
0xac: {  	[sflag:s22] =	ssyncset.done $0x0  }
0xad: {  	[sflag:s22] =	ssyncadd.s32 $0xFFFFC000  }
0xae: {  	_ =	swait.ge [sflag:s16], $0x80  }
0xaf: {  	[sflag:s16] =	ssyncset.done $0x0  }
0xb0: {  	[sflag:s16] =	ssyncadd.s32 $0xFFFFFF80  }
0xb1: {  	[spmem:s2] =	stream.indirect.scatter.add.f32 [tilespmem:s21], [sflag:$0x3], $0x1, s7, s25, $0xb8;
	[tilespmem:$0x1C5C0] =	vst v63  }
.Ltmp1:
0xb2: {  	_ =	swait.ge [sflag:s16], $0x80;
	(pc) =	sbr.rel @!p0 .LBB2_4-.Ltmp1, $3  }
0xb3: {  	[sflag:s16] =	ssyncset.done $0x0  }
0xb4: {  	[sflag:s16] =	ssyncadd.s32 $0xFFFFFF80  }
0xb5: {  	[bflag:$0x0] =	sbarrier.arrive $0xFFFF;
	_ =	sdelay $0x1  }
.Ltmp2:
0xb6: {  	(pc) =	sbr.rel @!p2 .LBB2_6-.Ltmp2, $1  }
0xb7: {  	_ =	sdelay $0x3  }
0xb8: {  	[tilespmem:s23], [sflag:$0x4] =	stream.linear.gather [spmem:s15], $0x3E8, $0x38;
	[tilespmem:$0x1C5C0] =	vst v63  }
0xb9: {  	_ =	swait.ge [sflag:s22], $0x3E8  }
0xba: {  	[sflag:s22] =	ssyncset.done $0x0  }
0xbb: {  	s17 =	rddreg [dreg:$0x9];
	[sflag:s22] =	ssyncadd.s32 $0xFFFFFC18  }
0xbc: {  	[hbm4b:s17+s3] =	stream.linear.scatter [tilespmem:s23], [sflag:$0x4], $0x3E8, $0x38;
	[tilespmem:$0x1C5C0] =	vst v63  }
.Ltmp3:
0xbd: {  	_ =	swait.ge [sflag:s22], $0x3E8;
	(pc) =	sbr.rel @p1 .LBB2_9-.Ltmp3, $4  }
.Ltmp4:
0xbe: {  	[sflag:s22] =	ssyncset.done $0x0;
	(pc) =	sbr.rel @!p1 .LBB2_8-.Ltmp4, $4  }
0xbf: {  	[sflag:s22] =	ssyncadd.s32 $0xFFFFFC18  }
0xc0: {  	[bflag:$0x0] =	sbarrier.arrive $0xFFFF  }
0xc1: {  	p3 =	por $0x1, $0x1  }
0xc2: {  	_ = 	snop  }
.LBB2_4:
0xc3: {  	s17 =	sshll.u32 s5, $0x6  }
0xc4: {  	s18 =	sshrl.u32 s13, $0x3;
	s19 =	rddreg [dreg:$0x7];
	s17 =	sor.u32 $0x1C04, s17  }
0xc5: {  	[hbm:s19], [sflag:s17] =	dma.local [spmem:s18], $0x3E80  }
0xc6: {  	_ =	swait.ge [sflag:s22], $0x3E80  }
0xc7: {  	[sflag:s22] =	ssyncset.done $0x0  }
0xc8: {  	[sflag:s22] =	ssyncadd.s32 $0xFFFFC180  }
0xc9: {  	[bflag:$0x0] =	sbarrier.arrive $0xFFFF  }
.LBB2_8:
0xca: {  	s17 =	sshll.u32 s5, $0x6  }
.Ltmp5:
0xcb: {  	s18 =	sshrl.u32 s8, $0x3;
	s17 =	sor.u32 $0x1C04, s17;
	(pc) =	sbr.rel .LBB2_9-.Ltmp5, $4  }
0xcc: {  	[spmem:s18], [sflag:s17] =	dma.local [hbm:s6], $0x2800  }
0xcd: {  	_ =	swait.ge [sflag:s22], $0x2800  }
0xce: {  	[sflag:s22] =	ssyncset.done $0x0  }
0xcf: {  	p3 =	por p0, p0;
	[sflag:s22] =	ssyncadd.s32 $0xFFFFD800  }
.LBB2_6:
0xd0: {  	[bflag:$0x0] =	sbarrier.arrive $0xFFFF;
	p3 =	por $0x0, $0x0  }
.LBB2_9:
0xd1: {  	[tilespmem:$0x12080] =	vst v0  }
0xd2: {  	[tilespmem:$0x12090] =	vst v0  }
0xd3: {  	[tilespmem:$0x120A0] =	vst v0  }
0xd4: {  	[tilespmem:$0x120B0] =	vst v0  }
0xd5: {  	[tilespmem:$0x120C0] =	vst v0  }
0xd6: {  	[tilespmem:$0x120D0] =	vst v0  }
0xd7: {  	[tilespmem:$0x120E0] =	vst v0  }
0xd8: {  	[tilespmem:$0x120F0] =	vst v0  }
0xd9: {  	[tilespmem:$0x12100] =	vst v0  }
0xda: {  	[tilespmem:$0x12110] =	vst v0  }
0xdb: {  	[tilespmem:$0x12120] =	vst v0  }
0xdc: {  	[tilespmem:$0x12130] =	vst v0  }
0xdd: {  	[tilespmem:$0x12140] =	vst v0  }
0xde: {  	[tilespmem:$0x12150] =	vst v0  }
0xdf: {  	[tilespmem:$0x12160] =	vst v0  }
0xe0: {  	[tilespmem:$0x12170] =	vst v0  }
0xe1: {  	[tilespmem:$0x12180] =	vst v0  }
0xe2: {  	[tilespmem:$0x12190] =	vst v0  }
0xe3: {  	[tilespmem:$0x121A0] =	vst v0  }
0xe4: {  	[tilespmem:$0x121B0] =	vst v0  }
0xe5: {  	[spmem:s9] =	stream.linear.scatter [tilespmem:s23], [sflag:$0x4], $0x140, $0x38;
	[tilespmem:$0x1C5C0] =	vst v63  }
0xe6: {  	_ =	swait.ge [sflag:s22], $0x140  }
0xe7: {  	[sflag:s22] =	ssyncset.done $0x0  }
0xe8: {  	s17 =	rddreg [dreg:$0x8];
	[sflag:s22] =	ssyncadd.s32 $0xFFFFFEC0  }
0xe9: {  	[tilespmem:s3], [sflag:$0x4] =	stream.linear.gather [hbm4b:s17+s3], $0x5000, $0x38;
	[tilespmem:$0x1C5C0] =	vst v63  }
0xea: {  	_ =	swait.ge [sflag:s22], $0x5000  }
0xeb: {  	[sflag:s22] =	ssyncset.done $0x0  }
0xec: {  	s20 =	rddreg [dreg:$0xa];
	[sflag:s22] =	ssyncadd.s32 $0xFFFFB000  }
0xed: {  	[tilespmem:s24], [sflag:$0x4] =	stream.linear.gather [hbm4b:s20+s3], $0x5000, $0x38;
	[tilespmem:$0x1C5C0] =	vst v63  }
0xee: {  	_ =	swait.ge [sflag:s22], $0x5000  }
0xef: {  	[sflag:s22] =	ssyncset.done $0x0  }
0xf0: {  	[sflag:s22] =	ssyncadd.s32 $0xFFFFB000  }
0xf1: {  	[bflag:$0x0] =	sbarrier.arrive $0xFFFF  }
0xf2: {  	[tilespmem:s26], [sflag:$0x1] =	stream.indirect.gather [hbm4b:s4+s25], $0x80, s3, s25, $0xb8;
	[tilespmem:$0x1C5C0] =	vst v63  }
0xf3: {  	_ =	swait.ge [sflag:s28], $0x4000  }
0xf4: {  	[sflag:s28] =	ssyncset.done $0x0  }
0xf5: {  	[sflag:s28] =	ssyncadd.s32 $0xFFFFC000  }
0xf6: {  	[tilespmem:s29], [sflag:$0x2] =	stream.indirect.gather [hbm4b:s4+s25], $0x80, s25, s25, $0xb8;
	[tilespmem:$0x1C5C0] =	vst v63  }
0xf7: {  	_ = 	snop  }
0xf8: {  	[spmem:s1] =	stream.indirect.scatter.add.f32 [tilespmem:s26], [sflag:$0x4], $0x80, s24, s25, $0xb8;
	[tilespmem:$0x1C5C0] =	vst v63  }
0xf9: {  	_ =	swait.ge [sflag:s22], $0x4000  }
0xfa: {  	[sflag:s22] =	ssyncset.done $0x0  }
0xfb: {  	[sflag:s22] =	ssyncadd.s32 $0xFFFFC000  }
0xfc: {  	[spmem:s2] =	stream.indirect.scatter.add.f32 [tilespmem:s21], [sflag:$0x3], $0x1, s24, s25, $0xb8;
	[tilespmem:$0x1C5C0] =	vst v63  }
0xfd: {  	_ =	swait.ge [sflag:s30], $0x4000  }
0xfe: {  	[sflag:s30] =	ssyncset.done $0x0  }
0xff: {  	[sflag:s30] =	ssyncadd.s32 $0xFFFFC000  }
0x100: {  	[tilespmem:s26], [sflag:$0x1] =	stream.indirect.gather [hbm4b:s4+s25], $0x80, s31, s25, $0xb8;
	[tilespmem:$0x1C5C0] =	vst v63  }
0x101: {  	_ = 	snop  }
0x102: {  	[spmem:s1] =	stream.indirect.scatter.add.f32 [tilespmem:s29], [sflag:$0x4], $0x80, s0, s25, $0xb8;
	[tilespmem:$0x1C5C0] =	vst v63  }
0x103: {  	_ =	swait.ge [sflag:s22], $0x4000  }
0x104: {  	[sflag:s22] =	ssyncset.done $0x0  }
0x105: {  	[sflag:s22] =	ssyncadd.s32 $0xFFFFC000  }
0x106: {  	_ =	swait.ge [sflag:s16], $0x80  }
0x107: {  	[sflag:s16] =	ssyncset.done $0x0  }
0x108: {  	[sflag:s16] =	ssyncadd.s32 $0xFFFFFF80  }
0x109: {  	[spmem:s2] =	stream.indirect.scatter.add.f32 [tilespmem:s21], [sflag:$0x3], $0x1, s0, s25, $0xb8;
	[tilespmem:$0x1C5C0] =	vst v63  }
0x10a: {  	_ =	swait.ge [sflag:s28], $0x4000  }
0x10b: {  	[sflag:s28] =	ssyncset.done $0x0  }
0x10c: {  	s18 =	simm.s32 $0x180;
	[sflag:s28] =	ssyncadd.s32 $0xFFFFC000  }
0x10d: {  	[tilespmem:s29], [sflag:$0x2] =	stream.indirect.gather [hbm4b:s4+s25], $0x80, s18, s25, $0xb8;
	[tilespmem:$0x1C5C0] =	vst v63  }
0x10e: {  	s19 =	simm.s32 $0x5100  }
0x10f: {  	[spmem:s1] =	stream.indirect.scatter.add.f32 [tilespmem:s26], [sflag:$0x4], $0x80, s19, s25, $0xb8;
	[tilespmem:$0x1C5C0] =	vst v63  }
0x110: {  	_ =	swait.ge [sflag:s22], $0x4000  }
0x111: {  	[sflag:s22] =	ssyncset.done $0x0  }
0x112: {  	[sflag:s22] =	ssyncadd.s32 $0xFFFFC000  }
0x113: {  	_ =	swait.ge [sflag:s16], $0x80  }
0x114: {  	[sflag:s16] =	ssyncset.done $0x0  }
0x115: {  	[sflag:s16] =	ssyncadd.s32 $0xFFFFFF80  }
0x116: {  	[spmem:s2] =	stream.indirect.scatter.add.f32 [tilespmem:s21], [sflag:$0x3], $0x1, s19, s25, $0xb8;
	[tilespmem:$0x1C5C0] =	vst v63  }
0x117: {  	_ =	swait.ge [sflag:s30], $0x4000  }
0x118: {  	[sflag:s30] =	ssyncset.done $0x0  }
0x119: {  	s20 =	simm.s32 $0x200;
	[sflag:s30] =	ssyncadd.s32 $0xFFFFC000  }
0x11a: {  	[tilespmem:s26], [sflag:$0x1] =	stream.indirect.gather [hbm4b:s4+s25], $0x80, s20, s25, $0xb8;
	[tilespmem:$0x1C5C0] =	vst v63  }
0x11b: {  	s18 =	simm.s32 $0x5180  }
0x11c: {  	[spmem:s1] =	stream.indirect.scatter.add.f32 [tilespmem:s29], [sflag:$0x4], $0x80, s18, s25, $0xb8;
	[tilespmem:$0x1C5C0] =	vst v63  }
0x11d: {  	_ =	swait.ge [sflag:s22], $0x4000  }
0x11e: {  	[sflag:s22] =	ssyncset.done $0x0  }
0x11f: {  	[sflag:s22] =	ssyncadd.s32 $0xFFFFC000  }
0x120: {  	_ =	swait.ge [sflag:s16], $0x80  }
0x121: {  	[sflag:s16] =	ssyncset.done $0x0  }
0x122: {  	s17 =	simm.s32 $0xFFFF6C00;
	[sflag:s16] =	ssyncadd.s32 $0xFFFFFF80  }
.LBB2_10:
0x123: {  	[spmem:s2] =	stream.indirect.scatter.add.f32 [tilespmem:s21], [sflag:$0x3], $0x1, s18, s25, $0xb8;
	[tilespmem:$0x1C5C0] =	vst v63  }
0x124: {  	s18 =	smov.u32 s17  }
0x125: {  	p4 =	sne.s32 s17, $0xFFFFFC00;
	s17 =	sadd.s32 $0x400, s17;
	_ =	swait.ge [sflag:s28], $0x4000  }
0x126: {  	s18 =	sshra.s32 s18, $0x2;
	[sflag:s28] =	ssyncset.done $0x0  }
0x127: {  	s19 =	sadd.s32 $0x2780, s18;
	[sflag:s28] =	ssyncadd.s32 $0xFFFFC000  }
0x128: {  	[tilespmem:s29], [sflag:$0x2] =	stream.indirect.gather [hbm4b:s4+s25], $0x80, s19, s25, $0xb8;
	[tilespmem:$0x1C5C0] =	vst v63  }
0x129: {  	s19 =	sadd.s32 $0x7700, s18  }
0x12a: {  	[spmem:s1] =	stream.indirect.scatter.add.f32 [tilespmem:s26], [sflag:$0x4], $0x80, s19, s25, $0xb8;
	[tilespmem:$0x1C5C0] =	vst v63  }
0x12b: {  	_ =	swait.ge [sflag:s22], $0x4000  }
0x12c: {  	[sflag:s22] =	ssyncset.done $0x0  }
0x12d: {  	[sflag:s22] =	ssyncadd.s32 $0xFFFFC000  }
0x12e: {  	_ =	swait.ge [sflag:s16], $0x80  }
0x12f: {  	[sflag:s16] =	ssyncset.done $0x0  }
0x130: {  	[sflag:s16] =	ssyncadd.s32 $0xFFFFFF80  }
0x131: {  	[spmem:s2] =	stream.indirect.scatter.add.f32 [tilespmem:s21], [sflag:$0x3], $0x1, s19, s25, $0xb8;
	[tilespmem:$0x1C5C0] =	vst v63  }
0x132: {  	_ =	swait.ge [sflag:s30], $0x4000  }
0x133: {  	[sflag:s30] =	ssyncset.done $0x0  }
0x134: {  	s19 =	sadd.s32 $0x2800, s18;
	[sflag:s30] =	ssyncadd.s32 $0xFFFFC000  }
0x135: {  	[tilespmem:s26], [sflag:$0x1] =	stream.indirect.gather [hbm4b:s4+s25], $0x80, s19, s25, $0xb8;
	[tilespmem:$0x1C5C0] =	vst v63  }
0x136: {  	s18 =	sadd.s32 $0x7780, s18  }
0x137: {  	[spmem:s1] =	stream.indirect.scatter.add.f32 [tilespmem:s29], [sflag:$0x4], $0x80, s18, s25, $0xb8;
	[tilespmem:$0x1C5C0] =	vst v63  }
0x138: {  	_ =	swait.ge [sflag:s22], $0x4000  }
.Ltmp6:
0x139: {  	[sflag:s22] =	ssyncset.done $0x0;
	(pc) =	sbr.rel @p4 .LBB2_10-.Ltmp6, $4  }
0x13a: {  	[sflag:s22] =	ssyncadd.s32 $0xFFFFC000  }
0x13b: {  	_ =	swait.ge [sflag:s16], $0x80  }
0x13c: {  	[sflag:s16] =	ssyncset.done $0x0  }
0x13d: {  	[sflag:s16] =	ssyncadd.s32 $0xFFFFFF80  }
0x13e: {  	[spmem:s2] =	stream.indirect.scatter.add.f32 [tilespmem:s21], [sflag:$0x3], $0x1, s18, s25, $0xb8;
	[tilespmem:$0x1C5C0] =	vst v63  }
0x13f: {  	_ =	swait.ge [sflag:s28], $0x4000  }
0x140: {  	[sflag:s28] =	ssyncset.done $0x0  }
0x141: {  	s17 =	simm.s32 $0x2780;
	[sflag:s28] =	ssyncadd.s32 $0xFFFFC000  }
0x142: {  	[tilespmem:s29], [sflag:$0x2] =	stream.indirect.gather [hbm4b:s4+s25], $0x80, s17, s25, $0xb8;
	[tilespmem:$0x1C5C0] =	vst v63  }
0x143: {  	_ = 	snop  }
0x144: {  	[spmem:s1] =	stream.indirect.scatter.add.f32 [tilespmem:s26], [sflag:$0x4], $0x80, s10, s25, $0xb8;
	[tilespmem:$0x1C5C0] =	vst v63  }
0x145: {  	_ =	swait.ge [sflag:s22], $0x4000  }
0x146: {  	[sflag:s22] =	ssyncset.done $0x0  }
0x147: {  	[sflag:s22] =	ssyncadd.s32 $0xFFFFC000  }
0x148: {  	_ =	swait.ge [sflag:s16], $0x80  }
0x149: {  	[sflag:s16] =	ssyncset.done $0x0  }
0x14a: {  	[sflag:s16] =	ssyncadd.s32 $0xFFFFFF80  }
0x14b: {  	[spmem:s2] =	stream.indirect.scatter.add.f32 [tilespmem:s21], [sflag:$0x3], $0x1, s10, s25, $0xb8;
	[tilespmem:$0x1C5C0] =	vst v63  }
0x14c: {  	_ =	swait.ge [sflag:s30], $0x4000  }
0x14d: {  	[sflag:s30] =	ssyncset.done $0x0  }
0x14e: {  	[sflag:s30] =	ssyncadd.s32 $0xFFFFC000  }
0x14f: {  	[spmem:s1] =	stream.indirect.scatter.add.f32 [tilespmem:s29], [sflag:$0x4], $0x80, s11, s25, $0xb8;
	[tilespmem:$0x1C5C0] =	vst v63  }
0x150: {  	_ =	swait.ge [sflag:s22], $0x4000  }
0x151: {  	[sflag:s22] =	ssyncset.done $0x0  }
0x152: {  	[sflag:s22] =	ssyncadd.s32 $0xFFFFC000  }
0x153: {  	_ =	swait.ge [sflag:s16], $0x80  }
0x154: {  	[sflag:s16] =	ssyncset.done $0x0  }
0x155: {  	[sflag:s16] =	ssyncadd.s32 $0xFFFFFF80  }
0x156: {  	[spmem:s2] =	stream.indirect.scatter.add.f32 [tilespmem:s21], [sflag:$0x3], $0x1, s11, s25, $0xb8;
	[tilespmem:$0x1C5C0] =	vst v63  }
0x157: {  	_ =	swait.ge [sflag:s16], $0x80  }
0x158: {  	[sflag:s16] =	ssyncset.done $0x0  }
0x159: {  	[sflag:s16] =	ssyncadd.s32 $0xFFFFFF80  }
0x15a: {  	s17 =	sshll.u32 @!p0 s5, $0x6;
	[bflag:$0x0] =	sbarrier.arrive $0xFFFF  }
0x15b: {  	s18 =	sshrl.u32 @!p0 s13, $0x3;
	s17 =	sor.u32 @!p0 $0x1C04, s17;
	s19 =	rddreg [dreg:$0xb]  }
0x15c: {  	[hbm:s19], [sflag:s17] =	dma.local @!p0 [spmem:s18], $0x3E80  }
0x15d: {  	s17 =	simm.s32 @!p0 $0x4  }
0x15e: {  	_ =	swait.ge @!p0 [sflag:s17], $0x3E80  }
0x15f: {  	[sflag:s17] =	ssyncset.done @!p0 $0x0  }
0x160: {  	s18 =	simm.s32 @p3 $0x4;
	[sflag:s17] =	ssyncadd.s32 @!p0 $0xFFFFC180;
	s17 =	simm.s32 @p3 $0x12080  }
0x161: {  	[tilespmem:s17], [sflag:$0x4] =	stream.linear.gather @p3 [spmem:s15], $0x3E8, $0x38;
	[tilespmem:$0x1C5C0] =	vst v63  }
0x162: {  	_ =	swait.ge @p3 [sflag:s18], $0x3E8  }
0x163: {  	[sflag:s18] =	ssyncset.done @p3 $0x0  }
0x164: {  	s19 =	simm.s32 @p3 $0x0;
	s20 =	rddreg [dreg:$0xc];
	[sflag:s18] =	ssyncadd.s32 @p3 $0xFFFFFC18  }
0x165: {  	[hbm4b:s20+s19] =	stream.linear.scatter @p3 [tilespmem:s17], [sflag:$0x4], $0x3E8, $0x38;
	[tilespmem:$0x1C5C0] =	vst v63  }
0x166: {  	_ =	swait.ge @p3 [sflag:s18], $0x3E8  }
0x167: {  	s14 =	sadd.s32 $0x1, s14;
	[sflag:s18] =	ssyncset.done @p3 $0x0;
	s20 =	rddreg [dreg:$0xd]  }
0x168: {  	[sflag:s18] =	ssyncadd.s32 @p3 $0xFFFFFC18;
	p3 =	sne.s32 s14, s20  }
.Ltmp7:
0x169: {  	_ = 	snop;
	(pc) =	sbr.rel @p3 .LBB2_1-.Ltmp7, $2  }
0x16a: {  	_ =	sdelay $0x1  }
0x16b: {  	[bflag:$0x0] =	sbarrier.arrive $0xFFFF;
	_ =	sdelay $0x1  }
0x16c: {  	_ =	sfence.sel $0x180000  }
0x16d: {  	[bflag:$0x0] =	sbarrier.arrive $0xFFFF  }
0x16e: {  	_ =	strace $0x90000047  }
0x16f: {  	[bflag:$0x2] =	sbarrier.arrive $0xFFFF  }
0x170: {  	p0 =	sne.s32 s5, $0x0;
	s0 =	rddreg [dreg:$0x3]  }
0x171: {  	s0 =	sadd.s32 @!p0 $0x100000, s0  }
0x172: {  	[sflag:s0] =	ssyncadd.tile.s32 @!p0 $0x1;
	_ =	shalt  }
.Lfunc_end2:
_tile_overlayer_lowered:
.L_overlay_start_2:
0x173: {  	(tag) =	ssettag $0x2  }
0x174: {  	s0 =	rddreg [dreg:$0x0];
	s2 =	stileid.u32  }
0x175: {  	s1 =	rddreg [dreg:$0x1];
	p0 =	sne.s32 s2, $0x0  }
0x176: {  	s3 =	rddreg [dreg:$0x2];
	[bflag:$0x3] =	sbarrier.arrive $0xFFFF;
	s2 =	simm.s32 @!p0 $0x1C04  }
0x177: {  	[timem:s3], [sflag:s2] =	dma.local @!p0 [hbm:s0], s1  }
0x178: {  	s0 =	simm.s32 @!p0 $0x4  }
0x179: {  	_ =	swait.ge @!p0 [sflag:s0], s1  }
0x17a: {  	s1 =	ssub.s32 @!p0 $0x0, s1;
	[sflag:s0] =	ssyncset.done @!p0 $0x0  }
0x17b: {  	[sflag:s0] =	ssyncadd.s32 @!p0 s1  }
0x17c: {  	[bflag:$0x3] =	sbarrier.arrive $0xFFFF  }
0x17d: {  	_ =	shalt  }

</sc_bundles>
